<compile_context>
chip_gen: v7x
topology: tpu7x:2x2x1
jax: 0.10.2.dev20260603
libtpu: 0.0.44.dev20260713+nightly
codegen_flags: <defaults>
</compile_context>

<pallas_src>
import jax
import jax.numpy as jnp
from jax import lax
from jax.experimental import pallas as pl
from jax.experimental.pallas import tpu as pltpu
from jax.experimental.pallas import tpu_sc as plsc

N_CELLS = 1024
N_GENES = 10000
N_FRAG = 5_000_000

NC = 2
NS = 16

PASSES = 3
CHUNK_CELLS = 171
CHUNK_BINS = CHUNK_CELLS * N_GENES
ZSLICE = 107_008
SP_BINS = ZSLICE * NS
TRASH_BASE = CHUNK_BINS
PAD_VAL = 10_260_000

W = 4096
NWIN = 78
FT = W * NWIN
NP = FT * NS

RBLK = 128


def _sc_body(ix_hbm, cnt_hbm, bins, idxa, idxb, idxc, fill, rowbuf,
             sem_la, sem_lb, sem_lc, sem_sa, sem_sb, sem_sc, sem_z):
    k = lax.axis_index("c")
    s = lax.axis_index("s")

    lane = lax.broadcasted_iota(jnp.int32, (16,), 0)
    trash_vec = TRASH_BASE + s * 16 + lane

    def set_fill(val):
        def body(r, _):
            fill[pl.ds(r * 16, 16)] = jnp.full((16,), val, jnp.float32)
            return 0

        lax.fori_loop(0, W // 16, body, 0)

    def load(idx_ref, sem, w):
        return pltpu.make_async_copy(
            ix_hbm.at[pl.ds(s * FT + w * W, W)], idx_ref, sem)

    def scat(idx_ref, sem):
        return pltpu.make_async_copy(fill, bins.at[idx_ref], sem)

    def one_pass(p, _):
        cellbase = (2 * p + k) * CHUNK_CELLS
        base_bin = cellbase * N_GENES

        @pl.when(p == 0)
        def _():
            set_fill(0.0)
            z0 = s * ZSLICE
            for c in range(26):
                pltpu.async_copy(fill, bins.at[pl.ds(z0 + c * W, W)], sem_z)
            pltpu.async_copy(fill.at[pl.ds(0, 512)],
                             bins.at[pl.ds(z0 + 26 * W, 512)], sem_z)
            for c in range(26):
                pltpu.make_async_copy(fill, bins.at[pl.ds(z0 + c * W, W)],
                                      sem_z).wait()
            pltpu.make_async_copy(fill.at[pl.ds(0, 512)],
                                  bins.at[pl.ds(z0 + 26 * W, 512)],
                                  sem_z).wait()
            plsc.subcore_barrier()

        set_fill(1.0)

        load(idxa, sem_la, 0).start()

        def compute(idx_ref):
            def one_row(r, _):
                for cg in range(8):
                    o = r * 128 + cg * 16
                    v = idx_ref[pl.ds(o, 16)]
                    rel = v - base_bin
                    m = plsc.bitcast(rel, jnp.uint32) < jnp.uint32(CHUNK_BINS)
                    idx_ref[pl.ds(o, 16)] = jnp.where(m, rel, trash_vec)
                return 0

            lax.fori_loop(0, W // 128, one_row, 0)

        def turn(cur, nxt, w):
            cur_ref, cur_sl, cur_ss = cur
            nxt_ref, nxt_sl, nxt_ss = nxt
            load(cur_ref, cur_sl, w).wait()
            compute(cur_ref)
            pltpu.async_copy(fill, bins.at[cur_ref], cur_ss, add=True)

            @pl.when(w >= 2)
            def _():
                scat(nxt_ref, nxt_ss).wait()

            @pl.when(w + 1 < NWIN)
            def _():
                load(nxt_ref, nxt_sl, w + 1).start()

        slot_a = (idxa, sem_la, sem_sa)
        slot_b = (idxb, sem_lb, sem_sb)
        slot_c = (idxc, sem_lc, sem_sc)

        def one_triple(t, _):
            turn(slot_a, slot_b, 3 * t)
            turn(slot_b, slot_c, 3 * t + 1)
            turn(slot_c, slot_a, 3 * t + 2)
            return 0

        lax.fori_loop(0, NWIN // 3, one_triple, 0)
        scat(idxb, sem_sb).wait()
        scat(idxc, sem_sc).wait()
        plsc.subcore_barrier()

        set_fill(0.0)

        def zfires(cl):
            return (
                pltpu.make_async_copy(
                    fill, bins.at[pl.ds(cl * N_GENES, W)], sem_z),
                pltpu.make_async_copy(
                    fill, bins.at[pl.ds(cl * N_GENES + W, W)], sem_z),
                pltpu.make_async_copy(
                    fill.at[pl.ds(0, 1808)],
                    bins.at[pl.ds(cl * N_GENES + 2 * W, 1808)], sem_z),
            )

        def one_cell(r, _):
            cl = s * 11 + r
            cell = cellbase + cl

            @pl.when(jnp.logical_and(cl < CHUNK_CELLS, cell < N_CELLS))
            def _():
                for h in range(2):
                    pltpu.sync_copy(
                        bins.at[pl.ds(cl * N_GENES + h * 5000, 5000)], rowbuf)
                    pltpu.sync_copy(
                        rowbuf,
                        cnt_hbm.at[pl.ds(cell * N_GENES + h * 5000, 5000)])
                for d in zfires(cl):
                    d.start()

            return 0

        lax.fori_loop(0, 11, one_cell, 0)

        def drain_cell(r, _):
            cl = s * 11 + r
            cell = cellbase + cl

            @pl.when(jnp.logical_and(cl < CHUNK_CELLS, cell < N_CELLS))
            def _():
                for d in zfires(cl):
                    d.wait()

            return 0

        lax.fori_loop(0, 11, drain_cell, 0)

        @pl.when(s == 0)
        def _():
            pltpu.sync_copy(fill.at[pl.ds(0, 2128)],
                            bins.at[pl.ds(TRASH_BASE, 2128)])

        plsc.subcore_barrier()
        return 0

    lax.fori_loop(0, PASSES, one_pass, 0)


def _tc_body(cnt_ref, g_ref, ab_ref, out_ref):
    x = g_ref[...] * ab_ref[0, 0] + ab_ref[1, 0]

    def softplus(y):
        return jnp.maximum(y, 0.0) + jnp.log(1.0 + jnp.exp(-jnp.abs(y)))

    log_p = -softplus(-x)
    log_1mp = -softplus(x)
    out_ref[...] = cnt_ref[...] * log_1mp + log_p


def kernel(genecounts, nn_logit_weight, nn_logit_bias, local_cellxgene_ix,
           motif_binsize, n_cells, n_genes):
    f32 = jnp.float32
    a = nn_logit_weight[0, 0] * 10.0 / jnp.asarray(motif_binsize, f32)
    b = nn_logit_bias[0]
    ab = jnp.stack([a, b]).reshape(2, 1).astype(f32)

    ix = jnp.concatenate([
        local_cellxgene_ix.astype(jnp.int32),
        jnp.full((NP - N_FRAG,), PAD_VAL, jnp.int32),
    ])

    counts = pl.kernel(
        _sc_body,
        out_type=jax.ShapeDtypeStruct((N_CELLS * N_GENES,), f32),
        mesh=plsc.VectorSubcoreMesh(
            core_axis_name="c", subcore_axis_name="s",
            num_cores=NC, num_subcores=NS,
        ),
        scratch_types=[
            pltpu.VMEM_SHARED((SP_BINS,), f32),
            pltpu.VMEM((W,), jnp.int32),
            pltpu.VMEM((W,), jnp.int32),
            pltpu.VMEM((W,), jnp.int32),
            pltpu.VMEM((W,), f32),
            pltpu.VMEM((5000,), f32),
            pltpu.SemaphoreType.DMA,
            pltpu.SemaphoreType.DMA,
            pltpu.SemaphoreType.DMA,
            pltpu.SemaphoreType.DMA,
            pltpu.SemaphoreType.DMA,
            pltpu.SemaphoreType.DMA,
            pltpu.SemaphoreType.DMA,
        ],
    )(ix)

    return pl.pallas_call(
        _tc_body,
        out_shape=jax.ShapeDtypeStruct((N_CELLS, N_GENES), f32),
        grid=(N_CELLS // RBLK,),
        in_specs=[
            pl.BlockSpec((RBLK, N_GENES), lambda i: (i, 0)),
            pl.BlockSpec((1, N_GENES), lambda i: (0, 0)),
            pl.BlockSpec(memory_space=pltpu.SMEM),
        ],
        out_specs=pl.BlockSpec((RBLK, N_GENES), lambda i: (i, 0)),
    )(counts.reshape(N_CELLS, N_GENES),
      genecounts.astype(f32).reshape(1, N_GENES), ab)

# --- scband reference (transcript-rebuilt; emitter-appended) ---
"""Pipeline reference for scband-fragment-count-distribution-59760174956765 (READ-ONLY COPY).

The authoritative reference and input builder live on the scoring server;
editing this copy changes nothing except your own understanding.
"""

import jax, jax.numpy as jnp
import numpy as np

N_CELLS = 1024
N_GENES = 10000
N_FRAG = 5000000
MOTIF_BINSIZE = 100


def setup_inputs(seed: int = 0) -> dict:
    key = jax.random.key(seed)
    k1, k2, k3, k4 = jax.random.split(key, 4)
    genecounts = jax.random.uniform(k1, (N_GENES,), dtype=jnp.float32) * 50.0
    nn_logit_weight = jax.random.normal(k2, (1, 1), dtype=jnp.float32)
    nn_logit_bias = jax.random.normal(k3, (1,), dtype=jnp.float32)
    local_cellxgene_ix = jax.random.randint(k4, (N_FRAG,), 0, N_CELLS * N_GENES, dtype=jnp.int32)
    return {
        "genecounts": genecounts,
        "nn_logit_weight": nn_logit_weight,
        "nn_logit_bias": nn_logit_bias,
        "local_cellxgene_ix": local_cellxgene_ix,
        "motif_binsize": MOTIF_BINSIZE,
        "n_cells": N_CELLS,
        "n_genes": N_GENES,
    }


def reference(genecounts, nn_logit_weight, nn_logit_bias, local_cellxgene_ix, motif_binsize, n_cells, n_genes):
    # motif_count_genes = genecounts / motif_binsize * 10
    motif_count_genes = genecounts / jnp.asarray(motif_binsize, jnp.float32) * 10.0
    # nn_logit: Linear(1,1) applied to [n_genes, 1], then squeeze -> [n_genes]
    logits_genes = (motif_count_genes[:, None] @ nn_logit_weight.T + nn_logit_bias)[:, 0]
    # bincount over cellxgene bins (scatter-add), reshape to [n_cells, n_genes]
    n_genes_static = genecounts.shape[0]
    n_cells_static = N_CELLS
    dep_zero = jnp.asarray(n_cells + n_genes, jnp.float32) * 0.0
    fragment_count = jnp.zeros((n_cells_static * n_genes_static,), dtype=jnp.float32).at[local_cellxgene_ix].add(1.0)
    fragment_count = fragment_count.reshape((n_cells_static, n_genes_static)) + dep_zero
    # Geometric(logits).log_prob(k) = k * log(1-p) + log(p), p = sigmoid(logits)
    log_p = -jax.nn.softplus(-logits_genes)       # log(sigmoid(logits))
    log_1mp = -jax.nn.softplus(logits_genes)      # log(1 - sigmoid(logits))
    likelihood_count = fragment_count * log_1mp[None, :] + log_p[None, :]
    return likelihood_count

if __name__ == "__main__":
    import jax
    _d = setup_inputs()
    print(jax.jit(kernel)(*tuple(_d.values())))

</pallas_src>

<mosaic_0001>
#map = affine_map<(d0, d1) -> (0)>
module attributes {stable_mosaic.version = 14 : i64} {
  func.func @_sc_body(%arg0: i32, %arg1: i32, %arg2: memref<5111808xi32, #tpu.memory_space<hbm>>, %arg3: memref<10240000xf32, #tpu.memory_space<hbm>>, %arg4: memref<1712128xf32, #tpu.memory_space<vmem_shared>>, %arg5: memref<4096xi32, #tpu.memory_space<vmem>>, %arg6: memref<4096xi32, #tpu.memory_space<vmem>>, %arg7: memref<4096xi32, #tpu.memory_space<vmem>>, %arg8: memref<4096xf32, #tpu.memory_space<vmem>>, %arg9: memref<5000xf32, #tpu.memory_space<vmem>>, %arg10: memref<!tpu.dma_semaphore, #tpu.memory_space<semaphore_mem>>, %arg11: memref<!tpu.dma_semaphore, #tpu.memory_space<semaphore_mem>>, %arg12: memref<!tpu.dma_semaphore, #tpu.memory_space<semaphore_mem>>, %arg13: memref<!tpu.dma_semaphore, #tpu.memory_space<semaphore_mem>>, %arg14: memref<!tpu.dma_semaphore, #tpu.memory_space<semaphore_mem>>, %arg15: memref<!tpu.dma_semaphore, #tpu.memory_space<semaphore_mem>>, %arg16: memref<!tpu.dma_semaphore, #tpu.memory_space<semaphore_mem>>) attributes {dimension_semantics = [#tpu.dimension_semantics<core_parallel>, #tpu.dimension_semantics<subcore_parallel>], iteration_bounds = array<i64: 2, 16>, scalar_prefetch = 0 : i64, scratch_operands = 13 : i64, tpu.core_type = #tpu.core_type<sc_vector_subcore>, window_params = [{transform_indices = #map}, {transform_indices = #map}]} {
    %iota3A = tpu.iota {dimensions = array<i32: 0>} : vector<16xi32>
    %mul3A = arith.constant 16 : i32
    %mul3A_0 = arith.muli %arg1, %mul3A : i32
    %add3A = arith.constant 1710000 : i32
    %add3A_1 = arith.addi %add3A, %mul3A_0 : i32
    %add3A_2 = vector.broadcast %add3A_1 : i32 to vector<16xi32>
    %add3A_3 = arith.addi %add3A_2, %iota3A : vector<16xi32>
    %scan3A = arith.constant 0 : i32
    %scan3A_4 = arith.constant 0 : i32
    %scan3A_5 = arith.constant 3 : i32
    %scan3A_6 = arith.addi %scan3A_4, %scan3A_5 : i32
    %scan3A_7 = arith.constant 1 : i32
    %scan3A_8 = scf.for %scan3A_10 = %scan3A_4 to %scan3A_6 step %scan3A_7 iter_args(%scan3A_11 = %scan3A) -> (i32)  : i32 {
      %mul3A_12 = arith.constant 2 : i32
      %mul3A_13 = arith.muli %mul3A_12, %scan3A_10 : i32
      %add3A_14 = arith.addi %mul3A_13, %arg0 : i32
      %mul3A_15 = arith.constant 171 : i32
      %mul3A_16 = arith.muli %add3A_14, %mul3A_15 : i32
      %mul3A_17 = arith.constant 10000 : i32
      %mul3A_18 = arith.muli %mul3A_16, %mul3A_17 : i32
      %eq3A = arith.constant 0 : i32
      %eq3A_19 = arith.cmpi eq, %scan3A_10, %eq3A : i32
      %convert_element_type3A = arith.extui %eq3A_19 : i1 to i32
      %cond3A = arith.constant 0 : i32
      %cond3A_20 = arith.cmpi ne, %convert_element_type3A, %cond3A : i32
      scf.if %cond3A_20 {
        %scan3A_71 = arith.constant 0 : i32
        %scan3A_72 = arith.constant 0 : i32
        %scan3A_73 = arith.constant 256 : i32
        %scan3A_74 = arith.addi %scan3A_72, %scan3A_73 : i32
        %scan3A_75 = arith.constant 1 : i32
        %scan3A_76 = scf.for %scan3A_305 = %scan3A_72 to %scan3A_74 step %scan3A_75 iter_args(%scan3A_306 = %scan3A_71) -> (i32)  : i32 {
          %broadcast_in_dim3A = arith.constant 0.000000e+00 : f32
          %broadcast_in_dim3A_307 = vector.broadcast %broadcast_in_dim3A : f32 to vector<16xf32>
          %mul3A_308 = arith.constant 16 : i32
          %mul3A_309 = arith.muli %scan3A_305, %mul3A_308 : i32
          %swap3A = arith.index_cast %mul3A_309 : i32 to index
          %swap3A_310 = tpu.vector_load %arg8[%swap3A] {strides = array<i32>} : memref<4096xf32, #tpu.memory_space<vmem>>, vector<16xf32>,
          %swap3A_311 = vector.shape_cast %swap3A_310 : vector<16xf32> to vector<16xf32>
          %swap3A_312 = vector.shape_cast %broadcast_in_dim3A_307 : vector<16xf32> to vector<16xf32>
          tpu.vector_store %arg8[%swap3A], %swap3A_312 {strides = array<i32>} : memref<4096xf32, #tpu.memory_space<vmem>>, vector<16xf32>,
          %scan3A_313 = arith.constant 0 : i32
          scf.yield %scan3A_313 : i32
        }
        %scan3A_77 = arith.constant 256 : i32
        %mul3A_78 = arith.constant 107008 : i32
        %mul3A_79 = arith.muli %arg1, %mul3A_78 : i32
        %add3A_80 = arith.constant 0 : i32
        %add3A_81 = arith.addi %mul3A_79, %add3A_80 : i32
        %dma_start3A_82 = tpu.memref_slice %arg4[%add3A_81] : memref<1712128xf32, #tpu.memory_space<vmem_shared>> -> memref<4096xf32, #tpu.memory_space<vmem_shared>>
        %dma_start3A_83 = tpu.memref_slice %arg4[%add3A_81] : memref<1712128xf32, #tpu.memory_space<vmem_shared>> -> memref<4096xf32, #tpu.memory_space<vmem_shared>>
        tpu.enqueue_dma source(%arg8 : memref<4096xf32, #tpu.memory_space<vmem>>) target(%dma_start3A_83 : memref<4096xf32, #tpu.memory_space<vmem_shared>>) target_semaphore(%arg16 : memref<!tpu.dma_semaphore, #tpu.memory_space<semaphore_mem>>)
        %add3A_84 = arith.constant 4096 : i32
        %add3A_85 = arith.addi %mul3A_79, %add3A_84 : i32
        %dma_start3A_86 = tpu.memref_slice %arg4[%add3A_85] : memref<1712128xf32, #tpu.memory_space<vmem_shared>> -> memref<4096xf32, #tpu.memory_space<vmem_shared>>
        %dma_start3A_87 = tpu.memref_slice %arg4[%add3A_85] : memref<1712128xf32, #tpu.memory_space<vmem_shared>> -> memref<4096xf32, #tpu.memory_space<vmem_shared>>
        tpu.enqueue_dma source(%arg8 : memref<4096xf32, #tpu.memory_space<vmem>>) target(%dma_start3A_87 : memref<4096xf32, #tpu.memory_space<vmem_shared>>) target_semaphore(%arg16 : memref<!tpu.dma_semaphore, #tpu.memory_space<semaphore_mem>>)
        %add3A_88 = arith.constant 8192 : i32
        %add3A_89 = arith.addi %mul3A_79, %add3A_88 : i32
        %dma_start3A_90 = tpu.memref_slice %arg4[%add3A_89] : memref<1712128xf32, #tpu.memory_space<vmem_shared>> -> memref<4096xf32, #tpu.memory_space<vmem_shared>>
        %dma_start3A_91 = tpu.memref_slice %arg4[%add3A_89] : memref<1712128xf32, #tpu.memory_space<vmem_shared>> -> memref<4096xf32, #tpu.memory_space<vmem_shared>>
        tpu.enqueue_dma source(%arg8 : memref<4096xf32, #tpu.memory_space<vmem>>) target(%dma_start3A_91 : memref<4096xf32, #tpu.memory_space<vmem_shared>>) target_semaphore(%arg16 : memref<!tpu.dma_semaphore, #tpu.memory_space<semaphore_mem>>)
        %add3A_92 = arith.constant 12288 : i32
        %add3A_93 = arith.addi %mul3A_79, %add3A_92 : i32
        %dma_start3A_94 = tpu.memref_slice %arg4[%add3A_93] : memref<1712128xf32, #tpu.memory_space<vmem_shared>> -> memref<4096xf32, #tpu.memory_space<vmem_shared>>
        %dma_start3A_95 = tpu.memref_slice %arg4[%add3A_93] : memref<1712128xf32, #tpu.memory_space<vmem_shared>> -> memref<4096xf32, #tpu.memory_space<vmem_shared>>
        tpu.enqueue_dma source(%arg8 : memref<4096xf32, #tpu.memory_space<vmem>>) target(%dma_start3A_95 : memref<4096xf32, #tpu.memory_space<vmem_shared>>) target_semaphore(%arg16 : memref<!tpu.dma_semaphore, #tpu.memory_space<semaphore_mem>>)
        %add3A_96 = arith.constant 16384 : i32
        %add3A_97 = arith.addi %mul3A_79, %add3A_96 : i32
        %dma_start3A_98 = tpu.memref_slice %arg4[%add3A_97] : memref<1712128xf32, #tpu.memory_space<vmem_shared>> -> memref<4096xf32, #tpu.memory_space<vmem_shared>>
        %dma_start3A_99 = tpu.memref_slice %arg4[%add3A_97] : memref<1712128xf32, #tpu.memory_space<vmem_shared>> -> memref<4096xf32, #tpu.memory_space<vmem_shared>>
        tpu.enqueue_dma source(%arg8 : memref<4096xf32, #tpu.memory_space<vmem>>) target(%dma_start3A_99 : memref<4096xf32, #tpu.memory_space<vmem_shared>>) target_semaphore(%arg16 : memref<!tpu.dma_semaphore, #tpu.memory_space<semaphore_mem>>)
        %add3A_100 = arith.constant 20480 : i32
        %add3A_101 = arith.addi %mul3A_79, %add3A_100 : i32
        %dma_start3A_102 = tpu.memref_slice %arg4[%add3A_101] : memref<1712128xf32, #tpu.memory_space<vmem_shared>> -> memref<4096xf32, #tpu.memory_space<vmem_shared>>
        %dma_start3A_103 = tpu.memref_slice %arg4[%add3A_101] : memref<1712128xf32, #tpu.memory_space<vmem_shared>> -> memref<4096xf32, #tpu.memory_space<vmem_shared>>
        tpu.enqueue_dma source(%arg8 : memref<4096xf32, #tpu.memory_space<vmem>>) target(%dma_start3A_103 : memref<4096xf32, #tpu.memory_space<vmem_shared>>) target_semaphore(%arg16 : memref<!tpu.dma_semaphore, #tpu.memory_space<semaphore_mem>>)
        %add3A_104 = arith.constant 24576 : i32
        %add3A_105 = arith.addi %mul3A_79, %add3A_104 : i32
        %dma_start3A_106 = tpu.memref_slice %arg4[%add3A_105] : memref<1712128xf32, #tpu.memory_space<vmem_shared>> -> memref<4096xf32, #tpu.memory_space<vmem_shared>>
        %dma_start3A_107 = tpu.memref_slice %arg4[%add3A_105] : memref<1712128xf32, #tpu.memory_space<vmem_shared>> -> memref<4096xf32, #tpu.memory_space<vmem_shared>>
        tpu.enqueue_dma source(%arg8 : memref<4096xf32, #tpu.memory_space<vmem>>) target(%dma_start3A_107 : memref<4096xf32, #tpu.memory_space<vmem_shared>>) target_semaphore(%arg16 : memref<!tpu.dma_semaphore, #tpu.memory_space<semaphore_mem>>)
        %add3A_108 = arith.constant 28672 : i32
        %add3A_109 = arith.addi %mul3A_79, %add3A_108 : i32
        %dma_start3A_110 = tpu.memref_slice %arg4[%add3A_109] : memref<1712128xf32, #tpu.memory_space<vmem_shared>> -> memref<4096xf32, #tpu.memory_space<vmem_shared>>
        %dma_start3A_111 = tpu.memref_slice %arg4[%add3A_109] : memref<1712128xf32, #tpu.memory_space<vmem_shared>> -> memref<4096xf32, #tpu.memory_space<vmem_shared>>
        tpu.enqueue_dma source(%arg8 : memref<4096xf32, #tpu.memory_space<vmem>>) target(%dma_start3A_111 : memref<4096xf32, #tpu.memory_space<vmem_shared>>) target_semaphore(%arg16 : memref<!tpu.dma_semaphore, #tpu.memory_space<semaphore_mem>>)
        %add3A_112 = arith.constant 32768 : i32
        %add3A_113 = arith.addi %mul3A_79, %add3A_112 : i32
        %dma_start3A_114 = tpu.memref_slice %arg4[%add3A_113] : memref<1712128xf32, #tpu.memory_space<vmem_shared>> -> memref<4096xf32, #tpu.memory_space<vmem_shared>>
        %dma_start3A_115 = tpu.memref_slice %arg4[%add3A_113] : memref<1712128xf32, #tpu.memory_space<vmem_shared>> -> memref<4096xf32, #tpu.memory_space<vmem_shared>>
        tpu.enqueue_dma source(%arg8 : memref<4096xf32, #tpu.memory_space<vmem>>) target(%dma_start3A_115 : memref<4096xf32, #tpu.memory_space<vmem_shared>>) target_semaphore(%arg16 : memref<!tpu.dma_semaphore, #tpu.memory_space<semaphore_mem>>)
        %add3A_116 = arith.constant 36864 : i32
        %add3A_117 = arith.addi %mul3A_79, %add3A_116 : i32
        %dma_start3A_118 = tpu.memref_slice %arg4[%add3A_117] : memref<1712128xf32, #tpu.memory_space<vmem_shared>> -> memref<4096xf32, #tpu.memory_space<vmem_shared>>
        %dma_start3A_119 = tpu.memref_slice %arg4[%add3A_117] : memref<1712128xf32, #tpu.memory_space<vmem_shared>> -> memref<4096xf32, #tpu.memory_space<vmem_shared>>
        tpu.enqueue_dma source(%arg8 : memref<4096xf32, #tpu.memory_space<vmem>>) target(%dma_start3A_119 : memref<4096xf32, #tpu.memory_space<vmem_shared>>) target_semaphore(%arg16 : memref<!tpu.dma_semaphore, #tpu.memory_space<semaphore_mem>>)
        %add3A_120 = arith.constant 40960 : i32
        %add3A_121 = arith.addi %mul3A_79, %add3A_120 : i32
        %dma_start3A_122 = tpu.memref_slice %arg4[%add3A_121] : memref<1712128xf32, #tpu.memory_space<vmem_shared>> -> memref<4096xf32, #tpu.memory_space<vmem_shared>>
        %dma_start3A_123 = tpu.memref_slice %arg4[%add3A_121] : memref<1712128xf32, #tpu.memory_space<vmem_shared>> -> memref<4096xf32, #tpu.memory_space<vmem_shared>>
        tpu.enqueue_dma source(%arg8 : memref<4096xf32, #tpu.memory_space<vmem>>) target(%dma_start3A_123 : memref<4096xf32, #tpu.memory_space<vmem_shared>>) target_semaphore(%arg16 : memref<!tpu.dma_semaphore, #tpu.memory_space<semaphore_mem>>)
        %add3A_124 = arith.constant 45056 : i32
        %add3A_125 = arith.addi %mul3A_79, %add3A_124 : i32
        %dma_start3A_126 = tpu.memref_slice %arg4[%add3A_125] : memref<1712128xf32, #tpu.memory_space<vmem_shared>> -> memref<4096xf32, #tpu.memory_space<vmem_shared>>
        %dma_start3A_127 = tpu.memref_slice %arg4[%add3A_125] : memref<1712128xf32, #tpu.memory_space<vmem_shared>> -> memref<4096xf32, #tpu.memory_space<vmem_shared>>
        tpu.enqueue_dma source(%arg8 : memref<4096xf32, #tpu.memory_space<vmem>>) target(%dma_start3A_127 : memref<4096xf32, #tpu.memory_space<vmem_shared>>) target_semaphore(%arg16 : memref<!tpu.dma_semaphore, #tpu.memory_space<semaphore_mem>>)
        %add3A_128 = arith.constant 49152 : i32
        %add3A_129 = arith.addi %mul3A_79, %add3A_128 : i32
        %dma_start3A_130 = tpu.memref_slice %arg4[%add3A_129] : memref<1712128xf32, #tpu.memory_space<vmem_shared>> -> memref<4096xf32, #tpu.memory_space<vmem_shared>>
        %dma_start3A_131 = tpu.memref_slice %arg4[%add3A_129] : memref<1712128xf32, #tpu.memory_space<vmem_shared>> -> memref<4096xf32, #tpu.memory_space<vmem_shared>>
        tpu.enqueue_dma source(%arg8 : memref<4096xf32, #tpu.memory_space<vmem>>) target(%dma_start3A_131 : memref<4096xf32, #tpu.memory_space<vmem_shared>>) target_semaphore(%arg16 : memref<!tpu.dma_semaphore, #tpu.memory_space<semaphore_mem>>)
        %add3A_132 = arith.constant 53248 : i32
        %add3A_133 = arith.addi %mul3A_79, %add3A_132 : i32
        %dma_start3A_134 = tpu.memref_slice %arg4[%add3A_133] : memref<1712128xf32, #tpu.memory_space<vmem_shared>> -> memref<4096xf32, #tpu.memory_space<vmem_shared>>
        %dma_start3A_135 = tpu.memref_slice %arg4[%add3A_133] : memref<1712128xf32, #tpu.memory_space<vmem_shared>> -> memref<4096xf32, #tpu.memory_space<vmem_shared>>
        tpu.enqueue_dma source(%arg8 : memref<4096xf32, #tpu.memory_space<vmem>>) target(%dma_start3A_135 : memref<4096xf32, #tpu.memory_space<vmem_shared>>) target_semaphore(%arg16 : memref<!tpu.dma_semaphore, #tpu.memory_space<semaphore_mem>>)
        %add3A_136 = arith.constant 57344 : i32
        %add3A_137 = arith.addi %mul3A_79, %add3A_136 : i32
        %dma_start3A_138 = tpu.memref_slice %arg4[%add3A_137] : memref<1712128xf32, #tpu.memory_space<vmem_shared>> -> memref<4096xf32, #tpu.memory_space<vmem_shared>>
        %dma_start3A_139 = tpu.memref_slice %arg4[%add3A_137] : memref<1712128xf32, #tpu.memory_space<vmem_shared>> -> memref<4096xf32, #tpu.memory_space<vmem_shared>>
        tpu.enqueue_dma source(%arg8 : memref<4096xf32, #tpu.memory_space<vmem>>) target(%dma_start3A_139 : memref<4096xf32, #tpu.memory_space<vmem_shared>>) target_semaphore(%arg16 : memref<!tpu.dma_semaphore, #tpu.memory_space<semaphore_mem>>)
        %add3A_140 = arith.constant 61440 : i32
        %add3A_141 = arith.addi %mul3A_79, %add3A_140 : i32
        %dma_start3A_142 = tpu.memref_slice %arg4[%add3A_141] : memref<1712128xf32, #tpu.memory_space<vmem_shared>> -> memref<4096xf32, #tpu.memory_space<vmem_shared>>
        %dma_start3A_143 = tpu.memref_slice %arg4[%add3A_141] : memref<1712128xf32, #tpu.memory_space<vmem_shared>> -> memref<4096xf32, #tpu.memory_space<vmem_shared>>
        tpu.enqueue_dma source(%arg8 : memref<4096xf32, #tpu.memory_space<vmem>>) target(%dma_start3A_143 : memref<4096xf32, #tpu.memory_space<vmem_shared>>) target_semaphore(%arg16 : memref<!tpu.dma_semaphore, #tpu.memory_space<semaphore_mem>>)
        %add3A_144 = arith.constant 65536 : i32
        %add3A_145 = arith.addi %mul3A_79, %add3A_144 : i32
        %dma_start3A_146 = tpu.memref_slice %arg4[%add3A_145] : memref<1712128xf32, #tpu.memory_space<vmem_shared>> -> memref<4096xf32, #tpu.memory_space<vmem_shared>>
        %dma_start3A_147 = tpu.memref_slice %arg4[%add3A_145] : memref<1712128xf32, #tpu.memory_space<vmem_shared>> -> memref<4096xf32, #tpu.memory_space<vmem_shared>>
        tpu.enqueue_dma source(%arg8 : memref<4096xf32, #tpu.memory_space<vmem>>) target(%dma_start3A_147 : memref<4096xf32, #tpu.memory_space<vmem_shared>>) target_semaphore(%arg16 : memref<!tpu.dma_semaphore, #tpu.memory_space<semaphore_mem>>)
        %add3A_148 = arith.constant 69632 : i32
        %add3A_149 = arith.addi %mul3A_79, %add3A_148 : i32
        %dma_start3A_150 = tpu.memref_slice %arg4[%add3A_149] : memref<1712128xf32, #tpu.memory_space<vmem_shared>> -> memref<4096xf32, #tpu.memory_space<vmem_shared>>
        %dma_start3A_151 = tpu.memref_slice %arg4[%add3A_149] : memref<1712128xf32, #tpu.memory_space<vmem_shared>> -> memref<4096xf32, #tpu.memory_space<vmem_shared>>
        tpu.enqueue_dma source(%arg8 : memref<4096xf32, #tpu.memory_space<vmem>>) target(%dma_start3A_151 : memref<4096xf32, #tpu.memory_space<vmem_shared>>) target_semaphore(%arg16 : memref<!tpu.dma_semaphore, #tpu.memory_space<semaphore_mem>>)
        %add3A_152 = arith.constant 73728 : i32
        %add3A_153 = arith.addi %mul3A_79, %add3A_152 : i32
        %dma_start3A_154 = tpu.memref_slice %arg4[%add3A_153] : memref<1712128xf32, #tpu.memory_space<vmem_shared>> -> memref<4096xf32, #tpu.memory_space<vmem_shared>>
        %dma_start3A_155 = tpu.memref_slice %arg4[%add3A_153] : memref<1712128xf32, #tpu.memory_space<vmem_shared>> -> memref<4096xf32, #tpu.memory_space<vmem_shared>>
        tpu.enqueue_dma source(%arg8 : memref<4096xf32, #tpu.memory_space<vmem>>) target(%dma_start3A_155 : memref<4096xf32, #tpu.memory_space<vmem_shared>>) target_semaphore(%arg16 : memref<!tpu.dma_semaphore, #tpu.memory_space<semaphore_mem>>)
        %add3A_156 = arith.constant 77824 : i32
        %add3A_157 = arith.addi %mul3A_79, %add3A_156 : i32
        %dma_start3A_158 = tpu.memref_slice %arg4[%add3A_157] : memref<1712128xf32, #tpu.memory_space<vmem_shared>> -> memref<4096xf32, #tpu.memory_space<vmem_shared>>
        %dma_start3A_159 = tpu.memref_slice %arg4[%add3A_157] : memref<1712128xf32, #tpu.memory_space<vmem_shared>> -> memref<4096xf32, #tpu.memory_space<vmem_shared>>
        tpu.enqueue_dma source(%arg8 : memref<4096xf32, #tpu.memory_space<vmem>>) target(%dma_start3A_159 : memref<4096xf32, #tpu.memory_space<vmem_shared>>) target_semaphore(%arg16 : memref<!tpu.dma_semaphore, #tpu.memory_space<semaphore_mem>>)
        %add3A_160 = arith.constant 81920 : i32
        %add3A_161 = arith.addi %mul3A_79, %add3A_160 : i32
        %dma_start3A_162 = tpu.memref_slice %arg4[%add3A_161] : memref<1712128xf32, #tpu.memory_space<vmem_shared>> -> memref<4096xf32, #tpu.memory_space<vmem_shared>>
        %dma_start3A_163 = tpu.memref_slice %arg4[%add3A_161] : memref<1712128xf32, #tpu.memory_space<vmem_shared>> -> memref<4096xf32, #tpu.memory_space<vmem_shared>>
        tpu.enqueue_dma source(%arg8 : memref<4096xf32, #tpu.memory_space<vmem>>) target(%dma_start3A_163 : memref<4096xf32, #tpu.memory_space<vmem_shared>>) target_semaphore(%arg16 : memref<!tpu.dma_semaphore, #tpu.memory_space<semaphore_mem>>)
        %add3A_164 = arith.constant 86016 : i32
        %add3A_165 = arith.addi %mul3A_79, %add3A_164 : i32
        %dma_start3A_166 = tpu.memref_slice %arg4[%add3A_165] : memref<1712128xf32, #tpu.memory_space<vmem_shared>> -> memref<4096xf32, #tpu.memory_space<vmem_shared>>
        %dma_start3A_167 = tpu.memref_slice %arg4[%add3A_165] : memref<1712128xf32, #tpu.memory_space<vmem_shared>> -> memref<4096xf32, #tpu.memory_space<vmem_shared>>
        tpu.enqueue_dma source(%arg8 : memref<4096xf32, #tpu.memory_space<vmem>>) target(%dma_start3A_167 : memref<4096xf32, #tpu.memory_space<vmem_shared>>) target_semaphore(%arg16 : memref<!tpu.dma_semaphore, #tpu.memory_space<semaphore_mem>>)
        %add3A_168 = arith.constant 90112 : i32
        %add3A_169 = arith.addi %mul3A_79, %add3A_168 : i32
        %dma_start3A_170 = tpu.memref_slice %arg4[%add3A_169] : memref<1712128xf32, #tpu.memory_space<vmem_shared>> -> memref<4096xf32, #tpu.memory_space<vmem_shared>>
        %dma_start3A_171 = tpu.memref_slice %arg4[%add3A_169] : memref<1712128xf32, #tpu.memory_space<vmem_shared>> -> memref<4096xf32, #tpu.memory_space<vmem_shared>>
        tpu.enqueue_dma source(%arg8 : memref<4096xf32, #tpu.memory_space<vmem>>) target(%dma_start3A_171 : memref<4096xf32, #tpu.memory_space<vmem_shared>>) target_semaphore(%arg16 : memref<!tpu.dma_semaphore, #tpu.memory_space<semaphore_mem>>)
        %add3A_172 = arith.constant 94208 : i32
        %add3A_173 = arith.addi %mul3A_79, %add3A_172 : i32
        %dma_start3A_174 = tpu.memref_slice %arg4[%add3A_173] : memref<1712128xf32, #tpu.memory_space<vmem_shared>> -> memref<4096xf32, #tpu.memory_space<vmem_shared>>
        %dma_start3A_175 = tpu.memref_slice %arg4[%add3A_173] : memref<1712128xf32, #tpu.memory_space<vmem_shared>> -> memref<4096xf32, #tpu.memory_space<vmem_shared>>
        tpu.enqueue_dma source(%arg8 : memref<4096xf32, #tpu.memory_space<vmem>>) target(%dma_start3A_175 : memref<4096xf32, #tpu.memory_space<vmem_shared>>) target_semaphore(%arg16 : memref<!tpu.dma_semaphore, #tpu.memory_space<semaphore_mem>>)
        %add3A_176 = arith.constant 98304 : i32
        %add3A_177 = arith.addi %mul3A_79, %add3A_176 : i32
        %dma_start3A_178 = tpu.memref_slice %arg4[%add3A_177] : memref<1712128xf32, #tpu.memory_space<vmem_shared>> -> memref<4096xf32, #tpu.memory_space<vmem_shared>>
        %dma_start3A_179 = tpu.memref_slice %arg4[%add3A_177] : memref<1712128xf32, #tpu.memory_space<vmem_shared>> -> memref<4096xf32, #tpu.memory_space<vmem_shared>>
        tpu.enqueue_dma source(%arg8 : memref<4096xf32, #tpu.memory_space<vmem>>) target(%dma_start3A_179 : memref<4096xf32, #tpu.memory_space<vmem_shared>>) target_semaphore(%arg16 : memref<!tpu.dma_semaphore, #tpu.memory_space<semaphore_mem>>)
        %add3A_180 = arith.constant 102400 : i32
        %add3A_181 = arith.addi %mul3A_79, %add3A_180 : i32
        %dma_start3A_182 = tpu.memref_slice %arg4[%add3A_181] : memref<1712128xf32, #tpu.memory_space<vmem_shared>> -> memref<4096xf32, #tpu.memory_space<vmem_shared>>
        %dma_start3A_183 = tpu.memref_slice %arg4[%add3A_181] : memref<1712128xf32, #tpu.memory_space<vmem_shared>> -> memref<4096xf32, #tpu.memory_space<vmem_shared>>
        tpu.enqueue_dma source(%arg8 : memref<4096xf32, #tpu.memory_space<vmem>>) target(%dma_start3A_183 : memref<4096xf32, #tpu.memory_space<vmem_shared>>) target_semaphore(%arg16 : memref<!tpu.dma_semaphore, #tpu.memory_space<semaphore_mem>>)
        %add3A_184 = arith.constant 106496 : i32
        %add3A_185 = arith.addi %mul3A_79, %add3A_184 : i32
        %dma_start3A_186 = arith.constant 0 : i32
        %dma_start3A_187 = tpu.memref_slice %arg8[%dma_start3A_186] : memref<4096xf32, #tpu.memory_space<vmem>> -> memref<512xf32, #tpu.memory_space<vmem>>
        %dma_start3A_188 = tpu.memref_slice %arg4[%add3A_185] : memref<1712128xf32, #tpu.memory_space<vmem_shared>> -> memref<512xf32, #tpu.memory_space<vmem_shared>>
        %dma_start3A_189 = tpu.memref_slice %arg4[%add3A_185] : memref<1712128xf32, #tpu.memory_space<vmem_shared>> -> memref<512xf32, #tpu.memory_space<vmem_shared>>
        %dma_start3A_190 = arith.constant 0 : i32
        %dma_start3A_191 = tpu.memref_slice %arg8[%dma_start3A_190] : memref<4096xf32, #tpu.memory_space<vmem>> -> memref<512xf32, #tpu.memory_space<vmem>>
        tpu.enqueue_dma source(%dma_start3A_191 : memref<512xf32, #tpu.memory_space<vmem>>) target(%dma_start3A_189 : memref<512xf32, #tpu.memory_space<vmem_shared>>) target_semaphore(%arg16 : memref<!tpu.dma_semaphore, #tpu.memory_space<semaphore_mem>>)
        %add3A_192 = arith.constant 0 : i32
        %add3A_193 = arith.addi %mul3A_79, %add3A_192 : i32
        %dma_wait3A_194 = tpu.memref_slice %arg4[%add3A_193] : memref<1712128xf32, #tpu.memory_space<vmem_shared>> -> memref<4096xf32, #tpu.memory_space<vmem_shared>>
        %dma_wait3A_195 = tpu.memref_slice %arg4[%add3A_193] : memref<1712128xf32, #tpu.memory_space<vmem_shared>> -> memref<4096xf32, #tpu.memory_space<vmem_shared>>
        tpu.wait_dma2 semaphore(%arg16 : memref<!tpu.dma_semaphore, #tpu.memory_space<semaphore_mem>>) src(%arg8 : memref<4096xf32, #tpu.memory_space<vmem>>) dst(%dma_wait3A_195 : memref<4096xf32, #tpu.memory_space<vmem_shared>>)
        %add3A_196 = arith.constant 4096 : i32
        %add3A_197 = arith.addi %mul3A_79, %add3A_196 : i32
        %dma_wait3A_198 = tpu.memref_slice %arg4[%add3A_197] : memref<1712128xf32, #tpu.memory_space<vmem_shared>> -> memref<4096xf32, #tpu.memory_space<vmem_shared>>
        %dma_wait3A_199 = tpu.memref_slice %arg4[%add3A_197] : memref<1712128xf32, #tpu.memory_space<vmem_shared>> -> memref<4096xf32, #tpu.memory_space<vmem_shared>>
        tpu.wait_dma2 semaphore(%arg16 : memref<!tpu.dma_semaphore, #tpu.memory_space<semaphore_mem>>) src(%arg8 : memref<4096xf32, #tpu.memory_space<vmem>>) dst(%dma_wait3A_199 : memref<4096xf32, #tpu.memory_space<vmem_shared>>)
        %add3A_200 = arith.constant 8192 : i32
        %add3A_201 = arith.addi %mul3A_79, %add3A_200 : i32
        %dma_wait3A_202 = tpu.memref_slice %arg4[%add3A_201] : memref<1712128xf32, #tpu.memory_space<vmem_shared>> -> memref<4096xf32, #tpu.memory_space<vmem_shared>>
        %dma_wait3A_203 = tpu.memref_slice %arg4[%add3A_201] : memref<1712128xf32, #tpu.memory_space<vmem_shared>> -> memref<4096xf32, #tpu.memory_space<vmem_shared>>
        tpu.wait_dma2 semaphore(%arg16 : memref<!tpu.dma_semaphore, #tpu.memory_space<semaphore_mem>>) src(%arg8 : memref<4096xf32, #tpu.memory_space<vmem>>) dst(%dma_wait3A_203 : memref<4096xf32, #tpu.memory_space<vmem_shared>>)
        %add3A_204 = arith.constant 12288 : i32
        %add3A_205 = arith.addi %mul3A_79, %add3A_204 : i32
        %dma_wait3A_206 = tpu.memref_slice %arg4[%add3A_205] : memref<1712128xf32, #tpu.memory_space<vmem_shared>> -> memref<4096xf32, #tpu.memory_space<vmem_shared>>
        %dma_wait3A_207 = tpu.memref_slice %arg4[%add3A_205] : memref<1712128xf32, #tpu.memory_space<vmem_shared>> -> memref<4096xf32, #tpu.memory_space<vmem_shared>>
        tpu.wait_dma2 semaphore(%arg16 : memref<!tpu.dma_semaphore, #tpu.memory_space<semaphore_mem>>) src(%arg8 : memref<4096xf32, #tpu.memory_space<vmem>>) dst(%dma_wait3A_207 : memref<4096xf32, #tpu.memory_space<vmem_shared>>)
        %add3A_208 = arith.constant 16384 : i32
        %add3A_209 = arith.addi %mul3A_79, %add3A_208 : i32
        %dma_wait3A_210 = tpu.memref_slice %arg4[%add3A_209] : memref<1712128xf32, #tpu.memory_space<vmem_shared>> -> memref<4096xf32, #tpu.memory_space<vmem_shared>>
        %dma_wait3A_211 = tpu.memref_slice %arg4[%add3A_209] : memref<1712128xf32, #tpu.memory_space<vmem_shared>> -> memref<4096xf32, #tpu.memory_space<vmem_shared>>
        tpu.wait_dma2 semaphore(%arg16 : memref<!tpu.dma_semaphore, #tpu.memory_space<semaphore_mem>>) src(%arg8 : memref<4096xf32, #tpu.memory_space<vmem>>) dst(%dma_wait3A_211 : memref<4096xf32, #tpu.memory_space<vmem_shared>>)
        %add3A_212 = arith.constant 20480 : i32
        %add3A_213 = arith.addi %mul3A_79, %add3A_212 : i32
        %dma_wait3A_214 = tpu.memref_slice %arg4[%add3A_213] : memref<1712128xf32, #tpu.memory_space<vmem_shared>> -> memref<4096xf32, #tpu.memory_space<vmem_shared>>
        %dma_wait3A_215 = tpu.memref_slice %arg4[%add3A_213] : memref<1712128xf32, #tpu.memory_space<vmem_shared>> -> memref<4096xf32, #tpu.memory_space<vmem_shared>>
        tpu.wait_dma2 semaphore(%arg16 : memref<!tpu.dma_semaphore, #tpu.memory_space<semaphore_mem>>) src(%arg8 : memref<4096xf32, #tpu.memory_space<vmem>>) dst(%dma_wait3A_215 : memref<4096xf32, #tpu.memory_space<vmem_shared>>)
        %add3A_216 = arith.constant 24576 : i32
        %add3A_217 = arith.addi %mul3A_79, %add3A_216 : i32
        %dma_wait3A_218 = tpu.memref_slice %arg4[%add3A_217] : memref<1712128xf32, #tpu.memory_space<vmem_shared>> -> memref<4096xf32, #tpu.memory_space<vmem_shared>>
        %dma_wait3A_219 = tpu.memref_slice %arg4[%add3A_217] : memref<1712128xf32, #tpu.memory_space<vmem_shared>> -> memref<4096xf32, #tpu.memory_space<vmem_shared>>
        tpu.wait_dma2 semaphore(%arg16 : memref<!tpu.dma_semaphore, #tpu.memory_space<semaphore_mem>>) src(%arg8 : memref<4096xf32, #tpu.memory_space<vmem>>) dst(%dma_wait3A_219 : memref<4096xf32, #tpu.memory_space<vmem_shared>>)
        %add3A_220 = arith.constant 28672 : i32
        %add3A_221 = arith.addi %mul3A_79, %add3A_220 : i32
        %dma_wait3A_222 = tpu.memref_slice %arg4[%add3A_221] : memref<1712128xf32, #tpu.memory_space<vmem_shared>> -> memref<4096xf32, #tpu.memory_space<vmem_shared>>
        %dma_wait3A_223 = tpu.memref_slice %arg4[%add3A_221] : memref<1712128xf32, #tpu.memory_space<vmem_shared>> -> memref<4096xf32, #tpu.memory_space<vmem_shared>>
        tpu.wait_dma2 semaphore(%arg16 : memref<!tpu.dma_semaphore, #tpu.memory_space<semaphore_mem>>) src(%arg8 : memref<4096xf32, #tpu.memory_space<vmem>>) dst(%dma_wait3A_223 : memref<4096xf32, #tpu.memory_space<vmem_shared>>)
        %add3A_224 = arith.constant 32768 : i32
        %add3A_225 = arith.addi %mul3A_79, %add3A_224 : i32
        %dma_wait3A_226 = tpu.memref_slice %arg4[%add3A_225] : memref<1712128xf32, #tpu.memory_space<vmem_shared>> -> memref<4096xf32, #tpu.memory_space<vmem_shared>>
        %dma_wait3A_227 = tpu.memref_slice %arg4[%add3A_225] : memref<1712128xf32, #tpu.memory_space<vmem_shared>> -> memref<4096xf32, #tpu.memory_space<vmem_shared>>
        tpu.wait_dma2 semaphore(%arg16 : memref<!tpu.dma_semaphore, #tpu.memory_space<semaphore_mem>>) src(%arg8 : memref<4096xf32, #tpu.memory_space<vmem>>) dst(%dma_wait3A_227 : memref<4096xf32, #tpu.memory_space<vmem_shared>>)
        %add3A_228 = arith.constant 36864 : i32
        %add3A_229 = arith.addi %mul3A_79, %add3A_228 : i32
        %dma_wait3A_230 = tpu.memref_slice %arg4[%add3A_229] : memref<1712128xf32, #tpu.memory_space<vmem_shared>> -> memref<4096xf32, #tpu.memory_space<vmem_shared>>
        %dma_wait3A_231 = tpu.memref_slice %arg4[%add3A_229] : memref<1712128xf32, #tpu.memory_space<vmem_shared>> -> memref<4096xf32, #tpu.memory_space<vmem_shared>>
        tpu.wait_dma2 semaphore(%arg16 : memref<!tpu.dma_semaphore, #tpu.memory_space<semaphore_mem>>) src(%arg8 : memref<4096xf32, #tpu.memory_space<vmem>>) dst(%dma_wait3A_231 : memref<4096xf32, #tpu.memory_space<vmem_shared>>)
        %add3A_232 = arith.constant 40960 : i32
        %add3A_233 = arith.addi %mul3A_79, %add3A_232 : i32
        %dma_wait3A_234 = tpu.memref_slice %arg4[%add3A_233] : memref<1712128xf32, #tpu.memory_space<vmem_shared>> -> memref<4096xf32, #tpu.memory_space<vmem_shared>>
        %dma_wait3A_235 = tpu.memref_slice %arg4[%add3A_233] : memref<1712128xf32, #tpu.memory_space<vmem_shared>> -> memref<4096xf32, #tpu.memory_space<vmem_shared>>
        tpu.wait_dma2 semaphore(%arg16 : memref<!tpu.dma_semaphore, #tpu.memory_space<semaphore_mem>>) src(%arg8 : memref<4096xf32, #tpu.memory_space<vmem>>) dst(%dma_wait3A_235 : memref<4096xf32, #tpu.memory_space<vmem_shared>>)
        %add3A_236 = arith.constant 45056 : i32
        %add3A_237 = arith.addi %mul3A_79, %add3A_236 : i32
        %dma_wait3A_238 = tpu.memref_slice %arg4[%add3A_237] : memref<1712128xf32, #tpu.memory_space<vmem_shared>> -> memref<4096xf32, #tpu.memory_space<vmem_shared>>
        %dma_wait3A_239 = tpu.memref_slice %arg4[%add3A_237] : memref<1712128xf32, #tpu.memory_space<vmem_shared>> -> memref<4096xf32, #tpu.memory_space<vmem_shared>>
        tpu.wait_dma2 semaphore(%arg16 : memref<!tpu.dma_semaphore, #tpu.memory_space<semaphore_mem>>) src(%arg8 : memref<4096xf32, #tpu.memory_space<vmem>>) dst(%dma_wait3A_239 : memref<4096xf32, #tpu.memory_space<vmem_shared>>)
        %add3A_240 = arith.constant 49152 : i32
        %add3A_241 = arith.addi %mul3A_79, %add3A_240 : i32
        %dma_wait3A_242 = tpu.memref_slice %arg4[%add3A_241] : memref<1712128xf32, #tpu.memory_space<vmem_shared>> -> memref<4096xf32, #tpu.memory_space<vmem_shared>>
        %dma_wait3A_243 = tpu.memref_slice %arg4[%add3A_241] : memref<1712128xf32, #tpu.memory_space<vmem_shared>> -> memref<4096xf32, #tpu.memory_space<vmem_shared>>
        tpu.wait_dma2 semaphore(%arg16 : memref<!tpu.dma_semaphore, #tpu.memory_space<semaphore_mem>>) src(%arg8 : memref<4096xf32, #tpu.memory_space<vmem>>) dst(%dma_wait3A_243 : memref<4096xf32, #tpu.memory_space<vmem_shared>>)
        %add3A_244 = arith.constant 53248 : i32
        %add3A_245 = arith.addi %mul3A_79, %add3A_244 : i32
        %dma_wait3A_246 = tpu.memref_slice %arg4[%add3A_245] : memref<1712128xf32, #tpu.memory_space<vmem_shared>> -> memref<4096xf32, #tpu.memory_space<vmem_shared>>
        %dma_wait3A_247 = tpu.memref_slice %arg4[%add3A_245] : memref<1712128xf32, #tpu.memory_space<vmem_shared>> -> memref<4096xf32, #tpu.memory_space<vmem_shared>>
        tpu.wait_dma2 semaphore(%arg16 : memref<!tpu.dma_semaphore, #tpu.memory_space<semaphore_mem>>) src(%arg8 : memref<4096xf32, #tpu.memory_space<vmem>>) dst(%dma_wait3A_247 : memref<4096xf32, #tpu.memory_space<vmem_shared>>)
        %add3A_248 = arith.constant 57344 : i32
        %add3A_249 = arith.addi %mul3A_79, %add3A_248 : i32
        %dma_wait3A_250 = tpu.memref_slice %arg4[%add3A_249] : memref<1712128xf32, #tpu.memory_space<vmem_shared>> -> memref<4096xf32, #tpu.memory_space<vmem_shared>>
        %dma_wait3A_251 = tpu.memref_slice %arg4[%add3A_249] : memref<1712128xf32, #tpu.memory_space<vmem_shared>> -> memref<4096xf32, #tpu.memory_space<vmem_shared>>
        tpu.wait_dma2 semaphore(%arg16 : memref<!tpu.dma_semaphore, #tpu.memory_space<semaphore_mem>>) src(%arg8 : memref<4096xf32, #tpu.memory_space<vmem>>) dst(%dma_wait3A_251 : memref<4096xf32, #tpu.memory_space<vmem_shared>>)
        %add3A_252 = arith.constant 61440 : i32
        %add3A_253 = arith.addi %mul3A_79, %add3A_252 : i32
        %dma_wait3A_254 = tpu.memref_slice %arg4[%add3A_253] : memref<1712128xf32, #tpu.memory_space<vmem_shared>> -> memref<4096xf32, #tpu.memory_space<vmem_shared>>
        %dma_wait3A_255 = tpu.memref_slice %arg4[%add3A_253] : memref<1712128xf32, #tpu.memory_space<vmem_shared>> -> memref<4096xf32, #tpu.memory_space<vmem_shared>>
        tpu.wait_dma2 semaphore(%arg16 : memref<!tpu.dma_semaphore, #tpu.memory_space<semaphore_mem>>) src(%arg8 : memref<4096xf32, #tpu.memory_space<vmem>>) dst(%dma_wait3A_255 : memref<4096xf32, #tpu.memory_space<vmem_shared>>)
        %add3A_256 = arith.constant 65536 : i32
        %add3A_257 = arith.addi %mul3A_79, %add3A_256 : i32
        %dma_wait3A_258 = tpu.memref_slice %arg4[%add3A_257] : memref<1712128xf32, #tpu.memory_space<vmem_shared>> -> memref<4096xf32, #tpu.memory_space<vmem_shared>>
        %dma_wait3A_259 = tpu.memref_slice %arg4[%add3A_257] : memref<1712128xf32, #tpu.memory_space<vmem_shared>> -> memref<4096xf32, #tpu.memory_space<vmem_shared>>
        tpu.wait_dma2 semaphore(%arg16 : memref<!tpu.dma_semaphore, #tpu.memory_space<semaphore_mem>>) src(%arg8 : memref<4096xf32, #tpu.memory_space<vmem>>) dst(%dma_wait3A_259 : memref<4096xf32, #tpu.memory_space<vmem_shared>>)
        %add3A_260 = arith.constant 69632 : i32
        %add3A_261 = arith.addi %mul3A_79, %add3A_260 : i32
        %dma_wait3A_262 = tpu.memref_slice %arg4[%add3A_261] : memref<1712128xf32, #tpu.memory_space<vmem_shared>> -> memref<4096xf32, #tpu.memory_space<vmem_shared>>
        %dma_wait3A_263 = tpu.memref_slice %arg4[%add3A_261] : memref<1712128xf32, #tpu.memory_space<vmem_shared>> -> memref<4096xf32, #tpu.memory_space<vmem_shared>>
        tpu.wait_dma2 semaphore(%arg16 : memref<!tpu.dma_semaphore, #tpu.memory_space<semaphore_mem>>) src(%arg8 : memref<4096xf32, #tpu.memory_space<vmem>>) dst(%dma_wait3A_263 : memref<4096xf32, #tpu.memory_space<vmem_shared>>)
        %add3A_264 = arith.constant 73728 : i32
        %add3A_265 = arith.addi %mul3A_79, %add3A_264 : i32
        %dma_wait3A_266 = tpu.memref_slice %arg4[%add3A_265] : memref<1712128xf32, #tpu.memory_space<vmem_shared>> -> memref<4096xf32, #tpu.memory_space<vmem_shared>>
        %dma_wait3A_267 = tpu.memref_slice %arg4[%add3A_265] : memref<1712128xf32, #tpu.memory_space<vmem_shared>> -> memref<4096xf32, #tpu.memory_space<vmem_shared>>
        tpu.wait_dma2 semaphore(%arg16 : memref<!tpu.dma_semaphore, #tpu.memory_space<semaphore_mem>>) src(%arg8 : memref<4096xf32, #tpu.memory_space<vmem>>) dst(%dma_wait3A_267 : memref<4096xf32, #tpu.memory_space<vmem_shared>>)
        %add3A_268 = arith.constant 77824 : i32
        %add3A_269 = arith.addi %mul3A_79, %add3A_268 : i32
        %dma_wait3A_270 = tpu.memref_slice %arg4[%add3A_269] : memref<1712128xf32, #tpu.memory_space<vmem_shared>> -> memref<4096xf32, #tpu.memory_space<vmem_shared>>
        %dma_wait3A_271 = tpu.memref_slice %arg4[%add3A_269] : memref<1712128xf32, #tpu.memory_space<vmem_shared>> -> memref<4096xf32, #tpu.memory_space<vmem_shared>>
        tpu.wait_dma2 semaphore(%arg16 : memref<!tpu.dma_semaphore, #tpu.memory_space<semaphore_mem>>) src(%arg8 : memref<4096xf32, #tpu.memory_space<vmem>>) dst(%dma_wait3A_271 : memref<4096xf32, #tpu.memory_space<vmem_shared>>)
        %add3A_272 = arith.constant 81920 : i32
        %add3A_273 = arith.addi %mul3A_79, %add3A_272 : i32
        %dma_wait3A_274 = tpu.memref_slice %arg4[%add3A_273] : memref<1712128xf32, #tpu.memory_space<vmem_shared>> -> memref<4096xf32, #tpu.memory_space<vmem_shared>>
        %dma_wait3A_275 = tpu.memref_slice %arg4[%add3A_273] : memref<1712128xf32, #tpu.memory_space<vmem_shared>> -> memref<4096xf32, #tpu.memory_space<vmem_shared>>
        tpu.wait_dma2 semaphore(%arg16 : memref<!tpu.dma_semaphore, #tpu.memory_space<semaphore_mem>>) src(%arg8 : memref<4096xf32, #tpu.memory_space<vmem>>) dst(%dma_wait3A_275 : memref<4096xf32, #tpu.memory_space<vmem_shared>>)
        %add3A_276 = arith.constant 86016 : i32
        %add3A_277 = arith.addi %mul3A_79, %add3A_276 : i32
        %dma_wait3A_278 = tpu.memref_slice %arg4[%add3A_277] : memref<1712128xf32, #tpu.memory_space<vmem_shared>> -> memref<4096xf32, #tpu.memory_space<vmem_shared>>
        %dma_wait3A_279 = tpu.memref_slice %arg4[%add3A_277] : memref<1712128xf32, #tpu.memory_space<vmem_shared>> -> memref<4096xf32, #tpu.memory_space<vmem_shared>>
        tpu.wait_dma2 semaphore(%arg16 : memref<!tpu.dma_semaphore, #tpu.memory_space<semaphore_mem>>) src(%arg8 : memref<4096xf32, #tpu.memory_space<vmem>>) dst(%dma_wait3A_279 : memref<4096xf32, #tpu.memory_space<vmem_shared>>)
        %add3A_280 = arith.constant 90112 : i32
        %add3A_281 = arith.addi %mul3A_79, %add3A_280 : i32
        %dma_wait3A_282 = tpu.memref_slice %arg4[%add3A_281] : memref<1712128xf32, #tpu.memory_space<vmem_shared>> -> memref<4096xf32, #tpu.memory_space<vmem_shared>>
        %dma_wait3A_283 = tpu.memref_slice %arg4[%add3A_281] : memref<1712128xf32, #tpu.memory_space<vmem_shared>> -> memref<4096xf32, #tpu.memory_space<vmem_shared>>
        tpu.wait_dma2 semaphore(%arg16 : memref<!tpu.dma_semaphore, #tpu.memory_space<semaphore_mem>>) src(%arg8 : memref<4096xf32, #tpu.memory_space<vmem>>) dst(%dma_wait3A_283 : memref<4096xf32, #tpu.memory_space<vmem_shared>>)
        %add3A_284 = arith.constant 94208 : i32
        %add3A_285 = arith.addi %mul3A_79, %add3A_284 : i32
        %dma_wait3A_286 = tpu.memref_slice %arg4[%add3A_285] : memref<1712128xf32, #tpu.memory_space<vmem_shared>> -> memref<4096xf32, #tpu.memory_space<vmem_shared>>
        %dma_wait3A_287 = tpu.memref_slice %arg4[%add3A_285] : memref<1712128xf32, #tpu.memory_space<vmem_shared>> -> memref<4096xf32, #tpu.memory_space<vmem_shared>>
        tpu.wait_dma2 semaphore(%arg16 : memref<!tpu.dma_semaphore, #tpu.memory_space<semaphore_mem>>) src(%arg8 : memref<4096xf32, #tpu.memory_space<vmem>>) dst(%dma_wait3A_287 : memref<4096xf32, #tpu.memory_space<vmem_shared>>)
        %add3A_288 = arith.constant 98304 : i32
        %add3A_289 = arith.addi %mul3A_79, %add3A_288 : i32
        %dma_wait3A_290 = tpu.memref_slice %arg4[%add3A_289] : memref<1712128xf32, #tpu.memory_space<vmem_shared>> -> memref<4096xf32, #tpu.memory_space<vmem_shared>>
        %dma_wait3A_291 = tpu.memref_slice %arg4[%add3A_289] : memref<1712128xf32, #tpu.memory_space<vmem_shared>> -> memref<4096xf32, #tpu.memory_space<vmem_shared>>
        tpu.wait_dma2 semaphore(%arg16 : memref<!tpu.dma_semaphore, #tpu.memory_space<semaphore_mem>>) src(%arg8 : memref<4096xf32, #tpu.memory_space<vmem>>) dst(%dma_wait3A_291 : memref<4096xf32, #tpu.memory_space<vmem_shared>>)
        %add3A_292 = arith.constant 102400 : i32
        %add3A_293 = arith.addi %mul3A_79, %add3A_292 : i32
        %dma_wait3A_294 = tpu.memref_slice %arg4[%add3A_293] : memref<1712128xf32, #tpu.memory_space<vmem_shared>> -> memref<4096xf32, #tpu.memory_space<vmem_shared>>
        %dma_wait3A_295 = tpu.memref_slice %arg4[%add3A_293] : memref<1712128xf32, #tpu.memory_space<vmem_shared>> -> memref<4096xf32, #tpu.memory_space<vmem_shared>>
        tpu.wait_dma2 semaphore(%arg16 : memref<!tpu.dma_semaphore, #tpu.memory_space<semaphore_mem>>) src(%arg8 : memref<4096xf32, #tpu.memory_space<vmem>>) dst(%dma_wait3A_295 : memref<4096xf32, #tpu.memory_space<vmem_shared>>)
        %add3A_296 = arith.constant 106496 : i32
        %add3A_297 = arith.addi %mul3A_79, %add3A_296 : i32
        %dma_wait3A_298 = arith.constant 0 : i32
        %dma_wait3A_299 = tpu.memref_slice %arg8[%dma_wait3A_298] : memref<4096xf32, #tpu.memory_space<vmem>> -> memref<512xf32, #tpu.memory_space<vmem>>
        %dma_wait3A_300 = tpu.memref_slice %arg4[%add3A_297] : memref<1712128xf32, #tpu.memory_space<vmem_shared>> -> memref<512xf32, #tpu.memory_space<vmem_shared>>
        %dma_wait3A_301 = tpu.memref_slice %arg4[%add3A_297] : memref<1712128xf32, #tpu.memory_space<vmem_shared>> -> memref<512xf32, #tpu.memory_space<vmem_shared>>
        %dma_wait3A_302 = arith.constant 0 : i32
        %dma_wait3A_303 = tpu.memref_slice %arg8[%dma_wait3A_302] : memref<4096xf32, #tpu.memory_space<vmem>> -> memref<512xf32, #tpu.memory_space<vmem>>
        tpu.wait_dma2 semaphore(%arg16 : memref<!tpu.dma_semaphore, #tpu.memory_space<semaphore_mem>>) src(%dma_wait3A_303 : memref<512xf32, #tpu.memory_space<vmem>>) dst(%dma_wait3A_301 : memref<512xf32, #tpu.memory_space<vmem_shared>>)
        %barrier3A_304 = arith.constant 0 : index
        tpu.barrier barrier_id(%barrier3A_304)
      } else {
      }
      %scan3A_21 = arith.constant 0 : i32
      %scan3A_22 = arith.constant 0 : i32
      %scan3A_23 = arith.constant 256 : i32
      %scan3A_24 = arith.addi %scan3A_22, %scan3A_23 : i32
      %scan3A_25 = arith.constant 1 : i32
      %scan3A_26 = scf.for %scan3A_71 = %scan3A_22 to %scan3A_24 step %scan3A_25 iter_args(%scan3A_72 = %scan3A_21) -> (i32)  : i32 {
        %broadcast_in_dim3A = arith.constant 1.000000e+00 : f32
        %broadcast_in_dim3A_73 = vector.broadcast %broadcast_in_dim3A : f32 to vector<16xf32>
        %mul3A_74 = arith.constant 16 : i32
        %mul3A_75 = arith.muli %scan3A_71, %mul3A_74 : i32
        %swap3A = arith.index_cast %mul3A_75 : i32 to index
        %swap3A_76 = tpu.vector_load %arg8[%swap3A] {strides = array<i32>} : memref<4096xf32, #tpu.memory_space<vmem>>, vector<16xf32>,
        %swap3A_77 = vector.shape_cast %swap3A_76 : vector<16xf32> to vector<16xf32>
        %swap3A_78 = vector.shape_cast %broadcast_in_dim3A_73 : vector<16xf32> to vector<16xf32>
        tpu.vector_store %arg8[%swap3A], %swap3A_78 {strides = array<i32>} : memref<4096xf32, #tpu.memory_space<vmem>>, vector<16xf32>,
        %scan3A_79 = arith.constant 0 : i32
        scf.yield %scan3A_79 : i32
      }
      %scan3A_27 = arith.constant 256 : i32
      %mul3A_28 = arith.constant 319488 : i32
      %mul3A_29 = arith.muli %arg1, %mul3A_28 : i32
      %add3A_30 = arith.constant 0 : i32
      %add3A_31 = arith.addi %mul3A_29, %add3A_30 : i32
      %dma_start3A = tpu.memref_slice %arg2[%add3A_31] : memref<5111808xi32, #tpu.memory_space<hbm>> -> memref<4096xi32, #tpu.memory_space<hbm>>
      %dma_start3A_32 = tpu.memref_slice %arg2[%add3A_31] : memref<5111808xi32, #tpu.memory_space<hbm>> -> memref<4096xi32, #tpu.memory_space<hbm>>
      tpu.enqueue_dma source(%dma_start3A_32 : memref<4096xi32, #tpu.memory_space<hbm>>) target(%arg5 : memref<4096xi32, #tpu.memory_space<vmem>>) target_semaphore(%arg10 : memref<!tpu.dma_semaphore, #tpu.memory_space<semaphore_mem>>)
      %scan3A_33 = arith.constant 0 : i32
      %scan3A_34 = arith.constant 0 : i32
      %scan3A_35 = arith.constant 26 : i32
      %scan3A_36 = arith.addi %scan3A_34, %scan3A_35 : i32
      %scan3A_37 = arith.constant 1 : i32
      %scan3A_38 = scf.for %scan3A_71 = %scan3A_34 to %scan3A_36 step %scan3A_37 iter_args(%scan3A_72 = %scan3A_33) -> (i32)  : i32 {
        %mul3A_73 = arith.constant 3 : i32
        %mul3A_74 = arith.muli %mul3A_73, %scan3A_71 : i32
        %mul3A_75 = arith.constant 319488 : i32
        %mul3A_76 = arith.muli %arg1, %mul3A_75 : i32
        %mul3A_77 = arith.constant 4096 : i32
        %mul3A_78 = arith.muli %mul3A_74, %mul3A_77 : i32
        %add3A_79 = arith.addi %mul3A_76, %mul3A_78 : i32
        %dma_wait3A_80 = tpu.memref_slice %arg2[%add3A_79] : memref<5111808xi32, #tpu.memory_space<hbm>> -> memref<4096xi32, #tpu.memory_space<hbm>>
        %dma_wait3A_81 = tpu.memref_slice %arg2[%add3A_79] : memref<5111808xi32, #tpu.memory_space<hbm>> -> memref<4096xi32, #tpu.memory_space<hbm>>
        tpu.wait_dma2 semaphore(%arg10 : memref<!tpu.dma_semaphore, #tpu.memory_space<semaphore_mem>>) src(%dma_wait3A_81 : memref<4096xi32, #tpu.memory_space<hbm>>) dst(%arg5 : memref<4096xi32, #tpu.memory_space<vmem>>)
        %scan3A_82 = arith.constant 0 : i32
        %scan3A_83 = arith.constant 0 : i32
        %scan3A_84 = arith.constant 32 : i32
        %scan3A_85 = arith.addi %scan3A_83, %scan3A_84 : i32
        %scan3A_86 = arith.constant 1 : i32
        %scan3A_87 = scf.for %scan3A_166 = %scan3A_83 to %scan3A_85 step %scan3A_86 iter_args(%scan3A_167 = %scan3A_82) -> (i32)  : i32 {
          %mul3A_168 = arith.constant 128 : i32
          %mul3A_169 = arith.muli %scan3A_166, %mul3A_168 : i32
          %add3A_170 = arith.constant 0 : i32
          %add3A_171 = arith.addi %mul3A_169, %add3A_170 : i32
          %get3A = arith.index_cast %add3A_171 : i32 to index
          %get3A_172 = tpu.vector_load %arg5[%get3A] {strides = array<i32>} : memref<4096xi32, #tpu.memory_space<vmem>>, vector<16xi32>,
          %get3A_173 = vector.shape_cast %get3A_172 : vector<16xi32> to vector<16xi32>
          %sub3A = vector.broadcast %mul3A_18 : i32 to vector<16xi32>
          %sub3A_174 = arith.subi %get3A_173, %sub3A : vector<16xi32>
          %bitcast3A = vector.bitcast %sub3A_174 : vector<16xi32> to vector<16xi32>
          %lt3A_175 = arith.constant 1710000 : i32
          %lt3A_176 = vector.broadcast %lt3A_175 : i32 to vector<16xi32>
          %lt3A_177 = arith.cmpi ult, %bitcast3A, %lt3A_176 : vector<16xi32>
          %select_n3A = arith.select %lt3A_177, %sub3A_174, %add3A_3 : vector<16xi1>, vector<16xi32>
          %swap3A = arith.index_cast %add3A_171 : i32 to index
          %swap3A_178 = tpu.vector_load %arg5[%swap3A] {strides = array<i32>} : memref<4096xi32, #tpu.memory_space<vmem>>, vector<16xi32>,
          %swap3A_179 = vector.shape_cast %swap3A_178 : vector<16xi32> to vector<16xi32>
          %swap3A_180 = vector.shape_cast %select_n3A : vector<16xi32> to vector<16xi32>
          tpu.vector_store %arg5[%swap3A], %swap3A_180 {strides = array<i32>} : memref<4096xi32, #tpu.memory_space<vmem>>, vector<16xi32>,
          %mul3A_181 = arith.constant 128 : i32
          %mul3A_182 = arith.muli %scan3A_166, %mul3A_181 : i32
          %add3A_183 = arith.constant 16 : i32
          %add3A_184 = arith.addi %mul3A_182, %add3A_183 : i32
          %get3A_185 = arith.index_cast %add3A_184 : i32 to index
          %get3A_186 = tpu.vector_load %arg5[%get3A_185] {strides = array<i32>} : memref<4096xi32, #tpu.memory_space<vmem>>, vector<16xi32>,
          %get3A_187 = vector.shape_cast %get3A_186 : vector<16xi32> to vector<16xi32>
          %sub3A_188 = vector.broadcast %mul3A_18 : i32 to vector<16xi32>
          %sub3A_189 = arith.subi %get3A_187, %sub3A_188 : vector<16xi32>
          %bitcast3A_190 = vector.bitcast %sub3A_189 : vector<16xi32> to vector<16xi32>
          %lt3A_191 = arith.constant 1710000 : i32
          %lt3A_192 = vector.broadcast %lt3A_191 : i32 to vector<16xi32>
          %lt3A_193 = arith.cmpi ult, %bitcast3A_190, %lt3A_192 : vector<16xi32>
          %select_n3A_194 = arith.select %lt3A_193, %sub3A_189, %add3A_3 : vector<16xi1>, vector<16xi32>
          %swap3A_195 = arith.index_cast %add3A_184 : i32 to index
          %swap3A_196 = tpu.vector_load %arg5[%swap3A_195] {strides = array<i32>} : memref<4096xi32, #tpu.memory_space<vmem>>, vector<16xi32>,
          %swap3A_197 = vector.shape_cast %swap3A_196 : vector<16xi32> to vector<16xi32>
          %swap3A_198 = vector.shape_cast %select_n3A_194 : vector<16xi32> to vector<16xi32>
          tpu.vector_store %arg5[%swap3A_195], %swap3A_198 {strides = array<i32>} : memref<4096xi32, #tpu.memory_space<vmem>>, vector<16xi32>,
          %mul3A_199 = arith.constant 128 : i32
          %mul3A_200 = arith.muli %scan3A_166, %mul3A_199 : i32
          %add3A_201 = arith.constant 32 : i32
          %add3A_202 = arith.addi %mul3A_200, %add3A_201 : i32
          %get3A_203 = arith.index_cast %add3A_202 : i32 to index
          %get3A_204 = tpu.vector_load %arg5[%get3A_203] {strides = array<i32>} : memref<4096xi32, #tpu.memory_space<vmem>>, vector<16xi32>,
          %get3A_205 = vector.shape_cast %get3A_204 : vector<16xi32> to vector<16xi32>
          %sub3A_206 = vector.broadcast %mul3A_18 : i32 to vector<16xi32>
          %sub3A_207 = arith.subi %get3A_205, %sub3A_206 : vector<16xi32>
          %bitcast3A_208 = vector.bitcast %sub3A_207 : vector<16xi32> to vector<16xi32>
          %lt3A_209 = arith.constant 1710000 : i32
          %lt3A_210 = vector.broadcast %lt3A_209 : i32 to vector<16xi32>
          %lt3A_211 = arith.cmpi ult, %bitcast3A_208, %lt3A_210 : vector<16xi32>
          %select_n3A_212 = arith.select %lt3A_211, %sub3A_207, %add3A_3 : vector<16xi1>, vector<16xi32>
          %swap3A_213 = arith.index_cast %add3A_202 : i32 to index
          %swap3A_214 = tpu.vector_load %arg5[%swap3A_213] {strides = array<i32>} : memref<4096xi32, #tpu.memory_space<vmem>>, vector<16xi32>,
          %swap3A_215 = vector.shape_cast %swap3A_214 : vector<16xi32> to vector<16xi32>
          %swap3A_216 = vector.shape_cast %select_n3A_212 : vector<16xi32> to vector<16xi32>
          tpu.vector_store %arg5[%swap3A_213], %swap3A_216 {strides = array<i32>} : memref<4096xi32, #tpu.memory_space<vmem>>, vector<16xi32>,
          %mul3A_217 = arith.constant 128 : i32
          %mul3A_218 = arith.muli %scan3A_166, %mul3A_217 : i32
          %add3A_219 = arith.constant 48 : i32
          %add3A_220 = arith.addi %mul3A_218, %add3A_219 : i32
          %get3A_221 = arith.index_cast %add3A_220 : i32 to index
          %get3A_222 = tpu.vector_load %arg5[%get3A_221] {strides = array<i32>} : memref<4096xi32, #tpu.memory_space<vmem>>, vector<16xi32>,
          %get3A_223 = vector.shape_cast %get3A_222 : vector<16xi32> to vector<16xi32>
          %sub3A_224 = vector.broadcast %mul3A_18 : i32 to vector<16xi32>
          %sub3A_225 = arith.subi %get3A_223, %sub3A_224 : vector<16xi32>
          %bitcast3A_226 = vector.bitcast %sub3A_225 : vector<16xi32> to vector<16xi32>
          %lt3A_227 = arith.constant 1710000 : i32
          %lt3A_228 = vector.broadcast %lt3A_227 : i32 to vector<16xi32>
          %lt3A_229 = arith.cmpi ult, %bitcast3A_226, %lt3A_228 : vector<16xi32>
          %select_n3A_230 = arith.select %lt3A_229, %sub3A_225, %add3A_3 : vector<16xi1>, vector<16xi32>
          %swap3A_231 = arith.index_cast %add3A_220 : i32 to index
          %swap3A_232 = tpu.vector_load %arg5[%swap3A_231] {strides = array<i32>} : memref<4096xi32, #tpu.memory_space<vmem>>, vector<16xi32>,
          %swap3A_233 = vector.shape_cast %swap3A_232 : vector<16xi32> to vector<16xi32>
          %swap3A_234 = vector.shape_cast %select_n3A_230 : vector<16xi32> to vector<16xi32>
          tpu.vector_store %arg5[%swap3A_231], %swap3A_234 {strides = array<i32>} : memref<4096xi32, #tpu.memory_space<vmem>>, vector<16xi32>,
          %mul3A_235 = arith.constant 128 : i32
          %mul3A_236 = arith.muli %scan3A_166, %mul3A_235 : i32
          %add3A_237 = arith.constant 64 : i32
          %add3A_238 = arith.addi %mul3A_236, %add3A_237 : i32
          %get3A_239 = arith.index_cast %add3A_238 : i32 to index
          %get3A_240 = tpu.vector_load %arg5[%get3A_239] {strides = array<i32>} : memref<4096xi32, #tpu.memory_space<vmem>>, vector<16xi32>,
          %get3A_241 = vector.shape_cast %get3A_240 : vector<16xi32> to vector<16xi32>
          %sub3A_242 = vector.broadcast %mul3A_18 : i32 to vector<16xi32>
          %sub3A_243 = arith.subi %get3A_241, %sub3A_242 : vector<16xi32>
          %bitcast3A_244 = vector.bitcast %sub3A_243 : vector<16xi32> to vector<16xi32>
          %lt3A_245 = arith.constant 1710000 : i32
          %lt3A_246 = vector.broadcast %lt3A_245 : i32 to vector<16xi32>
          %lt3A_247 = arith.cmpi ult, %bitcast3A_244, %lt3A_246 : vector<16xi32>
          %select_n3A_248 = arith.select %lt3A_247, %sub3A_243, %add3A_3 : vector<16xi1>, vector<16xi32>
          %swap3A_249 = arith.index_cast %add3A_238 : i32 to index
          %swap3A_250 = tpu.vector_load %arg5[%swap3A_249] {strides = array<i32>} : memref<4096xi32, #tpu.memory_space<vmem>>, vector<16xi32>,
          %swap3A_251 = vector.shape_cast %swap3A_250 : vector<16xi32> to vector<16xi32>
          %swap3A_252 = vector.shape_cast %select_n3A_248 : vector<16xi32> to vector<16xi32>
          tpu.vector_store %arg5[%swap3A_249], %swap3A_252 {strides = array<i32>} : memref<4096xi32, #tpu.memory_space<vmem>>, vector<16xi32>,
          %mul3A_253 = arith.constant 128 : i32
          %mul3A_254 = arith.muli %scan3A_166, %mul3A_253 : i32
          %add3A_255 = arith.constant 80 : i32
          %add3A_256 = arith.addi %mul3A_254, %add3A_255 : i32
          %get3A_257 = arith.index_cast %add3A_256 : i32 to index
          %get3A_258 = tpu.vector_load %arg5[%get3A_257] {strides = array<i32>} : memref<4096xi32, #tpu.memory_space<vmem>>, vector<16xi32>,
          %get3A_259 = vector.shape_cast %get3A_258 : vector<16xi32> to vector<16xi32>
          %sub3A_260 = vector.broadcast %mul3A_18 : i32 to vector<16xi32>
          %sub3A_261 = arith.subi %get3A_259, %sub3A_260 : vector<16xi32>
          %bitcast3A_262 = vector.bitcast %sub3A_261 : vector<16xi32> to vector<16xi32>
          %lt3A_263 = arith.constant 1710000 : i32
          %lt3A_264 = vector.broadcast %lt3A_263 : i32 to vector<16xi32>
          %lt3A_265 = arith.cmpi ult, %bitcast3A_262, %lt3A_264 : vector<16xi32>
          %select_n3A_266 = arith.select %lt3A_265, %sub3A_261, %add3A_3 : vector<16xi1>, vector<16xi32>
          %swap3A_267 = arith.index_cast %add3A_256 : i32 to index
          %swap3A_268 = tpu.vector_load %arg5[%swap3A_267] {strides = array<i32>} : memref<4096xi32, #tpu.memory_space<vmem>>, vector<16xi32>,
          %swap3A_269 = vector.shape_cast %swap3A_268 : vector<16xi32> to vector<16xi32>
          %swap3A_270 = vector.shape_cast %select_n3A_266 : vector<16xi32> to vector<16xi32>
          tpu.vector_store %arg5[%swap3A_267], %swap3A_270 {strides = array<i32>} : memref<4096xi32, #tpu.memory_space<vmem>>, vector<16xi32>,
          %mul3A_271 = arith.constant 128 : i32
          %mul3A_272 = arith.muli %scan3A_166, %mul3A_271 : i32
          %add3A_273 = arith.constant 96 : i32
          %add3A_274 = arith.addi %mul3A_272, %add3A_273 : i32
          %get3A_275 = arith.index_cast %add3A_274 : i32 to index
          %get3A_276 = tpu.vector_load %arg5[%get3A_275] {strides = array<i32>} : memref<4096xi32, #tpu.memory_space<vmem>>, vector<16xi32>,
          %get3A_277 = vector.shape_cast %get3A_276 : vector<16xi32> to vector<16xi32>
          %sub3A_278 = vector.broadcast %mul3A_18 : i32 to vector<16xi32>
          %sub3A_279 = arith.subi %get3A_277, %sub3A_278 : vector<16xi32>
          %bitcast3A_280 = vector.bitcast %sub3A_279 : vector<16xi32> to vector<16xi32>
          %lt3A_281 = arith.constant 1710000 : i32
          %lt3A_282 = vector.broadcast %lt3A_281 : i32 to vector<16xi32>
          %lt3A_283 = arith.cmpi ult, %bitcast3A_280, %lt3A_282 : vector<16xi32>
          %select_n3A_284 = arith.select %lt3A_283, %sub3A_279, %add3A_3 : vector<16xi1>, vector<16xi32>
          %swap3A_285 = arith.index_cast %add3A_274 : i32 to index
          %swap3A_286 = tpu.vector_load %arg5[%swap3A_285] {strides = array<i32>} : memref<4096xi32, #tpu.memory_space<vmem>>, vector<16xi32>,
          %swap3A_287 = vector.shape_cast %swap3A_286 : vector<16xi32> to vector<16xi32>
          %swap3A_288 = vector.shape_cast %select_n3A_284 : vector<16xi32> to vector<16xi32>
          tpu.vector_store %arg5[%swap3A_285], %swap3A_288 {strides = array<i32>} : memref<4096xi32, #tpu.memory_space<vmem>>, vector<16xi32>,
          %mul3A_289 = arith.constant 128 : i32
          %mul3A_290 = arith.muli %scan3A_166, %mul3A_289 : i32
          %add3A_291 = arith.constant 112 : i32
          %add3A_292 = arith.addi %mul3A_290, %add3A_291 : i32
          %get3A_293 = arith.index_cast %add3A_292 : i32 to index
          %get3A_294 = tpu.vector_load %arg5[%get3A_293] {strides = array<i32>} : memref<4096xi32, #tpu.memory_space<vmem>>, vector<16xi32>,
          %get3A_295 = vector.shape_cast %get3A_294 : vector<16xi32> to vector<16xi32>
          %sub3A_296 = vector.broadcast %mul3A_18 : i32 to vector<16xi32>
          %sub3A_297 = arith.subi %get3A_295, %sub3A_296 : vector<16xi32>
          %bitcast3A_298 = vector.bitcast %sub3A_297 : vector<16xi32> to vector<16xi32>
          %lt3A_299 = arith.constant 1710000 : i32
          %lt3A_300 = vector.broadcast %lt3A_299 : i32 to vector<16xi32>
          %lt3A_301 = arith.cmpi ult, %bitcast3A_298, %lt3A_300 : vector<16xi32>
          %select_n3A_302 = arith.select %lt3A_301, %sub3A_297, %add3A_3 : vector<16xi1>, vector<16xi32>
          %swap3A_303 = arith.index_cast %add3A_292 : i32 to index
          %swap3A_304 = tpu.vector_load %arg5[%swap3A_303] {strides = array<i32>} : memref<4096xi32, #tpu.memory_space<vmem>>, vector<16xi32>,
          %swap3A_305 = vector.shape_cast %swap3A_304 : vector<16xi32> to vector<16xi32>
          %swap3A_306 = vector.shape_cast %select_n3A_302 : vector<16xi32> to vector<16xi32>
          tpu.vector_store %arg5[%swap3A_303], %swap3A_306 {strides = array<i32>} : memref<4096xi32, #tpu.memory_space<vmem>>, vector<16xi32>,
          %scan3A_307 = arith.constant 0 : i32
          scf.yield %scan3A_307 : i32
        }
        %scan3A_88 = arith.constant 32 : i32
        %dma_start3A_89 = arith.constant 0 : i32
        %dma_start3A_90 = tpu.memref_slice %arg4[%dma_start3A_89] : memref<1712128xf32, #tpu.memory_space<vmem_shared>> -> memref<1712128xf32, #tpu.memory_space<vmem_shared>>
        tpu.enqueue_indirect_dma source(%arg8 : memref<4096xf32, #tpu.memory_space<vmem>>) target(%dma_start3A_90 : memref<1712128xf32, #tpu.memory_space<vmem_shared>>) offsets(%arg5 : memref<4096xi32, #tpu.memory_space<vmem>>) semaphore(%arg13 : memref<!tpu.dma_semaphore, #tpu.memory_space<semaphore_mem>>) {add = true}
        %ge3A = arith.constant 2 : i32
        %ge3A_91 = arith.cmpi sge, %mul3A_74, %ge3A : i32
        %convert_element_type3A_92 = arith.extui %ge3A_91 : i1 to i32
        %cond3A_93 = arith.constant 0 : i32
        %cond3A_94 = arith.cmpi ne, %convert_element_type3A_92, %cond3A_93 : i32
        scf.if %cond3A_94 {
          %dma_wait3A_166 = arith.constant 0 : i32
          %dma_wait3A_167 = tpu.memref_slice %arg4[%dma_wait3A_166] : memref<1712128xf32, #tpu.memory_space<vmem_shared>> -> memref<1712128xf32, #tpu.memory_space<vmem_shared>>
          tpu.wait_indirect_dma semaphore(%arg14 : memref<!tpu.dma_semaphore, #tpu.memory_space<semaphore_mem>>) src(%arg8 : memref<4096xf32, #tpu.memory_space<vmem>>) dst(%dma_wait3A_167 : memref<1712128xf32, #tpu.memory_space<vmem_shared>>)
        } else {
        }
        %add3A_95 = arith.constant 1 : i32
        %add3A_96 = arith.addi %mul3A_74, %add3A_95 : i32
        %lt3A = arith.constant 78 : i32
        %lt3A_97 = arith.cmpi slt, %add3A_96, %lt3A : i32
        %convert_element_type3A_98 = arith.extui %lt3A_97 : i1 to i32
        %cond3A_99 = arith.constant 0 : i32
        %cond3A_100 = arith.cmpi ne, %convert_element_type3A_98, %cond3A_99 : i32
        scf.if %cond3A_100 {
          %add3A_166 = arith.constant 1 : i32
          %add3A_167 = arith.addi %mul3A_74, %add3A_166 : i32
          %mul3A_168 = arith.constant 319488 : i32
          %mul3A_169 = arith.muli %arg1, %mul3A_168 : i32
          %mul3A_170 = arith.constant 4096 : i32
          %mul3A_171 = arith.muli %add3A_167, %mul3A_170 : i32
          %add3A_172 = arith.addi %mul3A_169, %mul3A_171 : i32
          %dma_start3A_173 = tpu.memref_slice %arg2[%add3A_172] : memref<5111808xi32, #tpu.memory_space<hbm>> -> memref<4096xi32, #tpu.memory_space<hbm>>
          %dma_start3A_174 = tpu.memref_slice %arg2[%add3A_172] : memref<5111808xi32, #tpu.memory_space<hbm>> -> memref<4096xi32, #tpu.memory_space<hbm>>
          tpu.enqueue_dma source(%dma_start3A_174 : memref<4096xi32, #tpu.memory_space<hbm>>) target(%arg6 : memref<4096xi32, #tpu.memory_space<vmem>>) target_semaphore(%arg11 : memref<!tpu.dma_semaphore, #tpu.memory_space<semaphore_mem>>)
        } else {
        }
        %mul3A_101 = arith.constant 3 : i32
        %mul3A_102 = arith.muli %mul3A_101, %scan3A_71 : i32
        %add3A_103 = arith.constant 1 : i32
        %add3A_104 = arith.addi %mul3A_102, %add3A_103 : i32
        %mul3A_105 = arith.constant 319488 : i32
        %mul3A_106 = arith.muli %arg1, %mul3A_105 : i32
        %mul3A_107 = arith.constant 4096 : i32
        %mul3A_108 = arith.muli %add3A_104, %mul3A_107 : i32
        %add3A_109 = arith.addi %mul3A_106, %mul3A_108 : i32
        %dma_wait3A_110 = tpu.memref_slice %arg2[%add3A_109] : memref<5111808xi32, #tpu.memory_space<hbm>> -> memref<4096xi32, #tpu.memory_space<hbm>>
        %dma_wait3A_111 = tpu.memref_slice %arg2[%add3A_109] : memref<5111808xi32, #tpu.memory_space<hbm>> -> memref<4096xi32, #tpu.memory_space<hbm>>
        tpu.wait_dma2 semaphore(%arg11 : memref<!tpu.dma_semaphore, #tpu.memory_space<semaphore_mem>>) src(%dma_wait3A_111 : memref<4096xi32, #tpu.memory_space<hbm>>) dst(%arg6 : memref<4096xi32, #tpu.memory_space<vmem>>)
        %scan3A_112 = arith.constant 0 : i32
        %scan3A_113 = arith.constant 0 : i32
        %scan3A_114 = arith.constant 32 : i32
        %scan3A_115 = arith.addi %scan3A_113, %scan3A_114 : i32
        %scan3A_116 = arith.constant 1 : i32
        %scan3A_117 = scf.for %scan3A_166 = %scan3A_113 to %scan3A_115 step %scan3A_116 iter_args(%scan3A_167 = %scan3A_112) -> (i32)  : i32 {
          %mul3A_168 = arith.constant 128 : i32
          %mul3A_169 = arith.muli %scan3A_166, %mul3A_168 : i32
          %add3A_170 = arith.constant 0 : i32
          %add3A_171 = arith.addi %mul3A_169, %add3A_170 : i32
          %get3A = arith.index_cast %add3A_171 : i32 to index
          %get3A_172 = tpu.vector_load %arg6[%get3A] {strides = array<i32>} : memref<4096xi32, #tpu.memory_space<vmem>>, vector<16xi32>,
          %get3A_173 = vector.shape_cast %get3A_172 : vector<16xi32> to vector<16xi32>
          %sub3A = vector.broadcast %mul3A_18 : i32 to vector<16xi32>
          %sub3A_174 = arith.subi %get3A_173, %sub3A : vector<16xi32>
          %bitcast3A = vector.bitcast %sub3A_174 : vector<16xi32> to vector<16xi32>
          %lt3A_175 = arith.constant 1710000 : i32
          %lt3A_176 = vector.broadcast %lt3A_175 : i32 to vector<16xi32>
          %lt3A_177 = arith.cmpi ult, %bitcast3A, %lt3A_176 : vector<16xi32>
          %select_n3A = arith.select %lt3A_177, %sub3A_174, %add3A_3 : vector<16xi1>, vector<16xi32>
          %swap3A = arith.index_cast %add3A_171 : i32 to index
          %swap3A_178 = tpu.vector_load %arg6[%swap3A] {strides = array<i32>} : memref<4096xi32, #tpu.memory_space<vmem>>, vector<16xi32>,
          %swap3A_179 = vector.shape_cast %swap3A_178 : vector<16xi32> to vector<16xi32>
          %swap3A_180 = vector.shape_cast %select_n3A : vector<16xi32> to vector<16xi32>
          tpu.vector_store %arg6[%swap3A], %swap3A_180 {strides = array<i32>} : memref<4096xi32, #tpu.memory_space<vmem>>, vector<16xi32>,
          %mul3A_181 = arith.constant 128 : i32
          %mul3A_182 = arith.muli %scan3A_166, %mul3A_181 : i32
          %add3A_183 = arith.constant 16 : i32
          %add3A_184 = arith.addi %mul3A_182, %add3A_183 : i32
          %get3A_185 = arith.index_cast %add3A_184 : i32 to index
          %get3A_186 = tpu.vector_load %arg6[%get3A_185] {strides = array<i32>} : memref<4096xi32, #tpu.memory_space<vmem>>, vector<16xi32>,
          %get3A_187 = vector.shape_cast %get3A_186 : vector<16xi32> to vector<16xi32>
          %sub3A_188 = vector.broadcast %mul3A_18 : i32 to vector<16xi32>
          %sub3A_189 = arith.subi %get3A_187, %sub3A_188 : vector<16xi32>
          %bitcast3A_190 = vector.bitcast %sub3A_189 : vector<16xi32> to vector<16xi32>
          %lt3A_191 = arith.constant 1710000 : i32
          %lt3A_192 = vector.broadcast %lt3A_191 : i32 to vector<16xi32>
          %lt3A_193 = arith.cmpi ult, %bitcast3A_190, %lt3A_192 : vector<16xi32>
          %select_n3A_194 = arith.select %lt3A_193, %sub3A_189, %add3A_3 : vector<16xi1>, vector<16xi32>
          %swap3A_195 = arith.index_cast %add3A_184 : i32 to index
          %swap3A_196 = tpu.vector_load %arg6[%swap3A_195] {strides = array<i32>} : memref<4096xi32, #tpu.memory_space<vmem>>, vector<16xi32>,
          %swap3A_197 = vector.shape_cast %swap3A_196 : vector<16xi32> to vector<16xi32>
          %swap3A_198 = vector.shape_cast %select_n3A_194 : vector<16xi32> to vector<16xi32>
          tpu.vector_store %arg6[%swap3A_195], %swap3A_198 {strides = array<i32>} : memref<4096xi32, #tpu.memory_space<vmem>>, vector<16xi32>,
          %mul3A_199 = arith.constant 128 : i32
          %mul3A_200 = arith.muli %scan3A_166, %mul3A_199 : i32
          %add3A_201 = arith.constant 32 : i32
          %add3A_202 = arith.addi %mul3A_200, %add3A_201 : i32
          %get3A_203 = arith.index_cast %add3A_202 : i32 to index
          %get3A_204 = tpu.vector_load %arg6[%get3A_203] {strides = array<i32>} : memref<4096xi32, #tpu.memory_space<vmem>>, vector<16xi32>,
          %get3A_205 = vector.shape_cast %get3A_204 : vector<16xi32> to vector<16xi32>
          %sub3A_206 = vector.broadcast %mul3A_18 : i32 to vector<16xi32>
          %sub3A_207 = arith.subi %get3A_205, %sub3A_206 : vector<16xi32>
          %bitcast3A_208 = vector.bitcast %sub3A_207 : vector<16xi32> to vector<16xi32>
          %lt3A_209 = arith.constant 1710000 : i32
          %lt3A_210 = vector.broadcast %lt3A_209 : i32 to vector<16xi32>
          %lt3A_211 = arith.cmpi ult, %bitcast3A_208, %lt3A_210 : vector<16xi32>
          %select_n3A_212 = arith.select %lt3A_211, %sub3A_207, %add3A_3 : vector<16xi1>, vector<16xi32>
          %swap3A_213 = arith.index_cast %add3A_202 : i32 to index
          %swap3A_214 = tpu.vector_load %arg6[%swap3A_213] {strides = array<i32>} : memref<4096xi32, #tpu.memory_space<vmem>>, vector<16xi32>,
          %swap3A_215 = vector.shape_cast %swap3A_214 : vector<16xi32> to vector<16xi32>
          %swap3A_216 = vector.shape_cast %select_n3A_212 : vector<16xi32> to vector<16xi32>
          tpu.vector_store %arg6[%swap3A_213], %swap3A_216 {strides = array<i32>} : memref<4096xi32, #tpu.memory_space<vmem>>, vector<16xi32>,
          %mul3A_217 = arith.constant 128 : i32
          %mul3A_218 = arith.muli %scan3A_166, %mul3A_217 : i32
          %add3A_219 = arith.constant 48 : i32
          %add3A_220 = arith.addi %mul3A_218, %add3A_219 : i32
          %get3A_221 = arith.index_cast %add3A_220 : i32 to index
          %get3A_222 = tpu.vector_load %arg6[%get3A_221] {strides = array<i32>} : memref<4096xi32, #tpu.memory_space<vmem>>, vector<16xi32>,
          %get3A_223 = vector.shape_cast %get3A_222 : vector<16xi32> to vector<16xi32>
          %sub3A_224 = vector.broadcast %mul3A_18 : i32 to vector<16xi32>
          %sub3A_225 = arith.subi %get3A_223, %sub3A_224 : vector<16xi32>
          %bitcast3A_226 = vector.bitcast %sub3A_225 : vector<16xi32> to vector<16xi32>
          %lt3A_227 = arith.constant 1710000 : i32
          %lt3A_228 = vector.broadcast %lt3A_227 : i32 to vector<16xi32>
          %lt3A_229 = arith.cmpi ult, %bitcast3A_226, %lt3A_228 : vector<16xi32>
          %select_n3A_230 = arith.select %lt3A_229, %sub3A_225, %add3A_3 : vector<16xi1>, vector<16xi32>
          %swap3A_231 = arith.index_cast %add3A_220 : i32 to index
          %swap3A_232 = tpu.vector_load %arg6[%swap3A_231] {strides = array<i32>} : memref<4096xi32, #tpu.memory_space<vmem>>, vector<16xi32>,
          %swap3A_233 = vector.shape_cast %swap3A_232 : vector<16xi32> to vector<16xi32>
          %swap3A_234 = vector.shape_cast %select_n3A_230 : vector<16xi32> to vector<16xi32>
          tpu.vector_store %arg6[%swap3A_231], %swap3A_234 {strides = array<i32>} : memref<4096xi32, #tpu.memory_space<vmem>>, vector<16xi32>,
          %mul3A_235 = arith.constant 128 : i32
          %mul3A_236 = arith.muli %scan3A_166, %mul3A_235 : i32
          %add3A_237 = arith.constant 64 : i32
          %add3A_238 = arith.addi %mul3A_236, %add3A_237 : i32
          %get3A_239 = arith.index_cast %add3A_238 : i32 to index
          %get3A_240 = tpu.vector_load %arg6[%get3A_239] {strides = array<i32>} : memref<4096xi32, #tpu.memory_space<vmem>>, vector<16xi32>,
          %get3A_241 = vector.shape_cast %get3A_240 : vector<16xi32> to vector<16xi32>
          %sub3A_242 = vector.broadcast %mul3A_18 : i32 to vector<16xi32>
          %sub3A_243 = arith.subi %get3A_241, %sub3A_242 : vector<16xi32>
          %bitcast3A_244 = vector.bitcast %sub3A_243 : vector<16xi32> to vector<16xi32>
          %lt3A_245 = arith.constant 1710000 : i32
          %lt3A_246 = vector.broadcast %lt3A_245 : i32 to vector<16xi32>
          %lt3A_247 = arith.cmpi ult, %bitcast3A_244, %lt3A_246 : vector<16xi32>
          %select_n3A_248 = arith.select %lt3A_247, %sub3A_243, %add3A_3 : vector<16xi1>, vector<16xi32>
          %swap3A_249 = arith.index_cast %add3A_238 : i32 to index
          %swap3A_250 = tpu.vector_load %arg6[%swap3A_249] {strides = array<i32>} : memref<4096xi32, #tpu.memory_space<vmem>>, vector<16xi32>,
          %swap3A_251 = vector.shape_cast %swap3A_250 : vector<16xi32> to vector<16xi32>
          %swap3A_252 = vector.shape_cast %select_n3A_248 : vector<16xi32> to vector<16xi32>
          tpu.vector_store %arg6[%swap3A_249], %swap3A_252 {strides = array<i32>} : memref<4096xi32, #tpu.memory_space<vmem>>, vector<16xi32>,
          %mul3A_253 = arith.constant 128 : i32
          %mul3A_254 = arith.muli %scan3A_166, %mul3A_253 : i32
          %add3A_255 = arith.constant 80 : i32
          %add3A_256 = arith.addi %mul3A_254, %add3A_255 : i32
          %get3A_257 = arith.index_cast %add3A_256 : i32 to index
          %get3A_258 = tpu.vector_load %arg6[%get3A_257] {strides = array<i32>} : memref<4096xi32, #tpu.memory_space<vmem>>, vector<16xi32>,
          %get3A_259 = vector.shape_cast %get3A_258 : vector<16xi32> to vector<16xi32>
          %sub3A_260 = vector.broadcast %mul3A_18 : i32 to vector<16xi32>
          %sub3A_261 = arith.subi %get3A_259, %sub3A_260 : vector<16xi32>
          %bitcast3A_262 = vector.bitcast %sub3A_261 : vector<16xi32> to vector<16xi32>
          %lt3A_263 = arith.constant 1710000 : i32
          %lt3A_264 = vector.broadcast %lt3A_263 : i32 to vector<16xi32>
          %lt3A_265 = arith.cmpi ult, %bitcast3A_262, %lt3A_264 : vector<16xi32>
          %select_n3A_266 = arith.select %lt3A_265, %sub3A_261, %add3A_3 : vector<16xi1>, vector<16xi32>
          %swap3A_267 = arith.index_cast %add3A_256 : i32 to index
          %swap3A_268 = tpu.vector_load %arg6[%swap3A_267] {strides = array<i32>} : memref<4096xi32, #tpu.memory_space<vmem>>, vector<16xi32>,
          %swap3A_269 = vector.shape_cast %swap3A_268 : vector<16xi32> to vector<16xi32>
          %swap3A_270 = vector.shape_cast %select_n3A_266 : vector<16xi32> to vector<16xi32>
          tpu.vector_store %arg6[%swap3A_267], %swap3A_270 {strides = array<i32>} : memref<4096xi32, #tpu.memory_space<vmem>>, vector<16xi32>,
          %mul3A_271 = arith.constant 128 : i32
          %mul3A_272 = arith.muli %scan3A_166, %mul3A_271 : i32
          %add3A_273 = arith.constant 96 : i32
          %add3A_274 = arith.addi %mul3A_272, %add3A_273 : i32
          %get3A_275 = arith.index_cast %add3A_274 : i32 to index
          %get3A_276 = tpu.vector_load %arg6[%get3A_275] {strides = array<i32>} : memref<4096xi32, #tpu.memory_space<vmem>>, vector<16xi32>,
          %get3A_277 = vector.shape_cast %get3A_276 : vector<16xi32> to vector<16xi32>
          %sub3A_278 = vector.broadcast %mul3A_18 : i32 to vector<16xi32>
          %sub3A_279 = arith.subi %get3A_277, %sub3A_278 : vector<16xi32>
          %bitcast3A_280 = vector.bitcast %sub3A_279 : vector<16xi32> to vector<16xi32>
          %lt3A_281 = arith.constant 1710000 : i32
          %lt3A_282 = vector.broadcast %lt3A_281 : i32 to vector<16xi32>
          %lt3A_283 = arith.cmpi ult, %bitcast3A_280, %lt3A_282 : vector<16xi32>
          %select_n3A_284 = arith.select %lt3A_283, %sub3A_279, %add3A_3 : vector<16xi1>, vector<16xi32>
          %swap3A_285 = arith.index_cast %add3A_274 : i32 to index
          %swap3A_286 = tpu.vector_load %arg6[%swap3A_285] {strides = array<i32>} : memref<4096xi32, #tpu.memory_space<vmem>>, vector<16xi32>,
          %swap3A_287 = vector.shape_cast %swap3A_286 : vector<16xi32> to vector<16xi32>
          %swap3A_288 = vector.shape_cast %select_n3A_284 : vector<16xi32> to vector<16xi32>
          tpu.vector_store %arg6[%swap3A_285], %swap3A_288 {strides = array<i32>} : memref<4096xi32, #tpu.memory_space<vmem>>, vector<16xi32>,
          %mul3A_289 = arith.constant 128 : i32
          %mul3A_290 = arith.muli %scan3A_166, %mul3A_289 : i32
          %add3A_291 = arith.constant 112 : i32
          %add3A_292 = arith.addi %mul3A_290, %add3A_291 : i32
          %get3A_293 = arith.index_cast %add3A_292 : i32 to index
          %get3A_294 = tpu.vector_load %arg6[%get3A_293] {strides = array<i32>} : memref<4096xi32, #tpu.memory_space<vmem>>, vector<16xi32>,
          %get3A_295 = vector.shape_cast %get3A_294 : vector<16xi32> to vector<16xi32>
          %sub3A_296 = vector.broadcast %mul3A_18 : i32 to vector<16xi32>
          %sub3A_297 = arith.subi %get3A_295, %sub3A_296 : vector<16xi32>
          %bitcast3A_298 = vector.bitcast %sub3A_297 : vector<16xi32> to vector<16xi32>
          %lt3A_299 = arith.constant 1710000 : i32
          %lt3A_300 = vector.broadcast %lt3A_299 : i32 to vector<16xi32>
          %lt3A_301 = arith.cmpi ult, %bitcast3A_298, %lt3A_300 : vector<16xi32>
          %select_n3A_302 = arith.select %lt3A_301, %sub3A_297, %add3A_3 : vector<16xi1>, vector<16xi32>
          %swap3A_303 = arith.index_cast %add3A_292 : i32 to index
          %swap3A_304 = tpu.vector_load %arg6[%swap3A_303] {strides = array<i32>} : memref<4096xi32, #tpu.memory_space<vmem>>, vector<16xi32>,
          %swap3A_305 = vector.shape_cast %swap3A_304 : vector<16xi32> to vector<16xi32>
          %swap3A_306 = vector.shape_cast %select_n3A_302 : vector<16xi32> to vector<16xi32>
          tpu.vector_store %arg6[%swap3A_303], %swap3A_306 {strides = array<i32>} : memref<4096xi32, #tpu.memory_space<vmem>>, vector<16xi32>,
          %scan3A_307 = arith.constant 0 : i32
          scf.yield %scan3A_307 : i32
        }
        %scan3A_118 = arith.constant 32 : i32
        %dma_start3A_119 = arith.constant 0 : i32
        %dma_start3A_120 = tpu.memref_slice %arg4[%dma_start3A_119] : memref<1712128xf32, #tpu.memory_space<vmem_shared>> -> memref<1712128xf32, #tpu.memory_space<vmem_shared>>
        tpu.enqueue_indirect_dma source(%arg8 : memref<4096xf32, #tpu.memory_space<vmem>>) target(%dma_start3A_120 : memref<1712128xf32, #tpu.memory_space<vmem_shared>>) offsets(%arg6 : memref<4096xi32, #tpu.memory_space<vmem>>) semaphore(%arg14 : memref<!tpu.dma_semaphore, #tpu.memory_space<semaphore_mem>>) {add = true}
        %ge3A_121 = arith.constant 2 : i32
        %ge3A_122 = arith.cmpi sge, %add3A_104, %ge3A_121 : i32
        %convert_element_type3A_123 = arith.extui %ge3A_122 : i1 to i32
        %cond3A_124 = arith.constant 0 : i32
        %cond3A_125 = arith.cmpi ne, %convert_element_type3A_123, %cond3A_124 : i32
        scf.if %cond3A_125 {
          %dma_wait3A_166 = arith.constant 0 : i32
          %dma_wait3A_167 = tpu.memref_slice %arg4[%dma_wait3A_166] : memref<1712128xf32, #tpu.memory_space<vmem_shared>> -> memref<1712128xf32, #tpu.memory_space<vmem_shared>>
          tpu.wait_indirect_dma semaphore(%arg15 : memref<!tpu.dma_semaphore, #tpu.memory_space<semaphore_mem>>) src(%arg8 : memref<4096xf32, #tpu.memory_space<vmem>>) dst(%dma_wait3A_167 : memref<1712128xf32, #tpu.memory_space<vmem_shared>>)
        } else {
        }
        %add3A_126 = arith.constant 1 : i32
        %add3A_127 = arith.addi %add3A_104, %add3A_126 : i32
        %lt3A_128 = arith.constant 78 : i32
        %lt3A_129 = arith.cmpi slt, %add3A_127, %lt3A_128 : i32
        %convert_element_type3A_130 = arith.extui %lt3A_129 : i1 to i32
        %cond3A_131 = arith.constant 0 : i32
        %cond3A_132 = arith.cmpi ne, %convert_element_type3A_130, %cond3A_131 : i32
        scf.if %cond3A_132 {
          %add3A_166 = arith.constant 1 : i32
          %add3A_167 = arith.addi %add3A_104, %add3A_166 : i32
          %mul3A_168 = arith.constant 319488 : i32
          %mul3A_169 = arith.muli %arg1, %mul3A_168 : i32
          %mul3A_170 = arith.constant 4096 : i32
          %mul3A_171 = arith.muli %add3A_167, %mul3A_170 : i32
          %add3A_172 = arith.addi %mul3A_169, %mul3A_171 : i32
          %dma_start3A_173 = tpu.memref_slice %arg2[%add3A_172] : memref<5111808xi32, #tpu.memory_space<hbm>> -> memref<4096xi32, #tpu.memory_space<hbm>>
          %dma_start3A_174 = tpu.memref_slice %arg2[%add3A_172] : memref<5111808xi32, #tpu.memory_space<hbm>> -> memref<4096xi32, #tpu.memory_space<hbm>>
          tpu.enqueue_dma source(%dma_start3A_174 : memref<4096xi32, #tpu.memory_space<hbm>>) target(%arg7 : memref<4096xi32, #tpu.memory_space<vmem>>) target_semaphore(%arg12 : memref<!tpu.dma_semaphore, #tpu.memory_space<semaphore_mem>>)
        } else {
        }
        %mul3A_133 = arith.constant 3 : i32
        %mul3A_134 = arith.muli %mul3A_133, %scan3A_71 : i32
        %add3A_135 = arith.constant 2 : i32
        %add3A_136 = arith.addi %mul3A_134, %add3A_135 : i32
        %mul3A_137 = arith.constant 319488 : i32
        %mul3A_138 = arith.muli %arg1, %mul3A_137 : i32
        %mul3A_139 = arith.constant 4096 : i32
        %mul3A_140 = arith.muli %add3A_136, %mul3A_139 : i32
        %add3A_141 = arith.addi %mul3A_138, %mul3A_140 : i32
        %dma_wait3A_142 = tpu.memref_slice %arg2[%add3A_141] : memref<5111808xi32, #tpu.memory_space<hbm>> -> memref<4096xi32, #tpu.memory_space<hbm>>
        %dma_wait3A_143 = tpu.memref_slice %arg2[%add3A_141] : memref<5111808xi32, #tpu.memory_space<hbm>> -> memref<4096xi32, #tpu.memory_space<hbm>>
        tpu.wait_dma2 semaphore(%arg12 : memref<!tpu.dma_semaphore, #tpu.memory_space<semaphore_mem>>) src(%dma_wait3A_143 : memref<4096xi32, #tpu.memory_space<hbm>>) dst(%arg7 : memref<4096xi32, #tpu.memory_space<vmem>>)
        %scan3A_144 = arith.constant 0 : i32
        %scan3A_145 = arith.constant 0 : i32
        %scan3A_146 = arith.constant 32 : i32
        %scan3A_147 = arith.addi %scan3A_145, %scan3A_146 : i32
        %scan3A_148 = arith.constant 1 : i32
        %scan3A_149 = scf.for %scan3A_166 = %scan3A_145 to %scan3A_147 step %scan3A_148 iter_args(%scan3A_167 = %scan3A_144) -> (i32)  : i32 {
          %mul3A_168 = arith.constant 128 : i32
          %mul3A_169 = arith.muli %scan3A_166, %mul3A_168 : i32
          %add3A_170 = arith.constant 0 : i32
          %add3A_171 = arith.addi %mul3A_169, %add3A_170 : i32
          %get3A = arith.index_cast %add3A_171 : i32 to index
          %get3A_172 = tpu.vector_load %arg7[%get3A] {strides = array<i32>} : memref<4096xi32, #tpu.memory_space<vmem>>, vector<16xi32>,
          %get3A_173 = vector.shape_cast %get3A_172 : vector<16xi32> to vector<16xi32>
          %sub3A = vector.broadcast %mul3A_18 : i32 to vector<16xi32>
          %sub3A_174 = arith.subi %get3A_173, %sub3A : vector<16xi32>
          %bitcast3A = vector.bitcast %sub3A_174 : vector<16xi32> to vector<16xi32>
          %lt3A_175 = arith.constant 1710000 : i32
          %lt3A_176 = vector.broadcast %lt3A_175 : i32 to vector<16xi32>
          %lt3A_177 = arith.cmpi ult, %bitcast3A, %lt3A_176 : vector<16xi32>
          %select_n3A = arith.select %lt3A_177, %sub3A_174, %add3A_3 : vector<16xi1>, vector<16xi32>
          %swap3A = arith.index_cast %add3A_171 : i32 to index
          %swap3A_178 = tpu.vector_load %arg7[%swap3A] {strides = array<i32>} : memref<4096xi32, #tpu.memory_space<vmem>>, vector<16xi32>,
          %swap3A_179 = vector.shape_cast %swap3A_178 : vector<16xi32> to vector<16xi32>
          %swap3A_180 = vector.shape_cast %select_n3A : vector<16xi32> to vector<16xi32>
          tpu.vector_store %arg7[%swap3A], %swap3A_180 {strides = array<i32>} : memref<4096xi32, #tpu.memory_space<vmem>>, vector<16xi32>,
          %mul3A_181 = arith.constant 128 : i32
          %mul3A_182 = arith.muli %scan3A_166, %mul3A_181 : i32
          %add3A_183 = arith.constant 16 : i32
          %add3A_184 = arith.addi %mul3A_182, %add3A_183 : i32
          %get3A_185 = arith.index_cast %add3A_184 : i32 to index
          %get3A_186 = tpu.vector_load %arg7[%get3A_185] {strides = array<i32>} : memref<4096xi32, #tpu.memory_space<vmem>>, vector<16xi32>,
          %get3A_187 = vector.shape_cast %get3A_186 : vector<16xi32> to vector<16xi32>
          %sub3A_188 = vector.broadcast %mul3A_18 : i32 to vector<16xi32>
          %sub3A_189 = arith.subi %get3A_187, %sub3A_188 : vector<16xi32>
          %bitcast3A_190 = vector.bitcast %sub3A_189 : vector<16xi32> to vector<16xi32>
          %lt3A_191 = arith.constant 1710000 : i32
          %lt3A_192 = vector.broadcast %lt3A_191 : i32 to vector<16xi32>
          %lt3A_193 = arith.cmpi ult, %bitcast3A_190, %lt3A_192 : vector<16xi32>
          %select_n3A_194 = arith.select %lt3A_193, %sub3A_189, %add3A_3 : vector<16xi1>, vector<16xi32>
          %swap3A_195 = arith.index_cast %add3A_184 : i32 to index
          %swap3A_196 = tpu.vector_load %arg7[%swap3A_195] {strides = array<i32>} : memref<4096xi32, #tpu.memory_space<vmem>>, vector<16xi32>,
          %swap3A_197 = vector.shape_cast %swap3A_196 : vector<16xi32> to vector<16xi32>
          %swap3A_198 = vector.shape_cast %select_n3A_194 : vector<16xi32> to vector<16xi32>
          tpu.vector_store %arg7[%swap3A_195], %swap3A_198 {strides = array<i32>} : memref<4096xi32, #tpu.memory_space<vmem>>, vector<16xi32>,
          %mul3A_199 = arith.constant 128 : i32
          %mul3A_200 = arith.muli %scan3A_166, %mul3A_199 : i32
          %add3A_201 = arith.constant 32 : i32
          %add3A_202 = arith.addi %mul3A_200, %add3A_201 : i32
          %get3A_203 = arith.index_cast %add3A_202 : i32 to index
          %get3A_204 = tpu.vector_load %arg7[%get3A_203] {strides = array<i32>} : memref<4096xi32, #tpu.memory_space<vmem>>, vector<16xi32>,
          %get3A_205 = vector.shape_cast %get3A_204 : vector<16xi32> to vector<16xi32>
          %sub3A_206 = vector.broadcast %mul3A_18 : i32 to vector<16xi32>
          %sub3A_207 = arith.subi %get3A_205, %sub3A_206 : vector<16xi32>
          %bitcast3A_208 = vector.bitcast %sub3A_207 : vector<16xi32> to vector<16xi32>
          %lt3A_209 = arith.constant 1710000 : i32
          %lt3A_210 = vector.broadcast %lt3A_209 : i32 to vector<16xi32>
          %lt3A_211 = arith.cmpi ult, %bitcast3A_208, %lt3A_210 : vector<16xi32>
          %select_n3A_212 = arith.select %lt3A_211, %sub3A_207, %add3A_3 : vector<16xi1>, vector<16xi32>
          %swap3A_213 = arith.index_cast %add3A_202 : i32 to index
          %swap3A_214 = tpu.vector_load %arg7[%swap3A_213] {strides = array<i32>} : memref<4096xi32, #tpu.memory_space<vmem>>, vector<16xi32>,
          %swap3A_215 = vector.shape_cast %swap3A_214 : vector<16xi32> to vector<16xi32>
          %swap3A_216 = vector.shape_cast %select_n3A_212 : vector<16xi32> to vector<16xi32>
          tpu.vector_store %arg7[%swap3A_213], %swap3A_216 {strides = array<i32>} : memref<4096xi32, #tpu.memory_space<vmem>>, vector<16xi32>,
          %mul3A_217 = arith.constant 128 : i32
          %mul3A_218 = arith.muli %scan3A_166, %mul3A_217 : i32
          %add3A_219 = arith.constant 48 : i32
          %add3A_220 = arith.addi %mul3A_218, %add3A_219 : i32
          %get3A_221 = arith.index_cast %add3A_220 : i32 to index
          %get3A_222 = tpu.vector_load %arg7[%get3A_221] {strides = array<i32>} : memref<4096xi32, #tpu.memory_space<vmem>>, vector<16xi32>,
          %get3A_223 = vector.shape_cast %get3A_222 : vector<16xi32> to vector<16xi32>
          %sub3A_224 = vector.broadcast %mul3A_18 : i32 to vector<16xi32>
          %sub3A_225 = arith.subi %get3A_223, %sub3A_224 : vector<16xi32>
          %bitcast3A_226 = vector.bitcast %sub3A_225 : vector<16xi32> to vector<16xi32>
          %lt3A_227 = arith.constant 1710000 : i32
          %lt3A_228 = vector.broadcast %lt3A_227 : i32 to vector<16xi32>
          %lt3A_229 = arith.cmpi ult, %bitcast3A_226, %lt3A_228 : vector<16xi32>
          %select_n3A_230 = arith.select %lt3A_229, %sub3A_225, %add3A_3 : vector<16xi1>, vector<16xi32>
          %swap3A_231 = arith.index_cast %add3A_220 : i32 to index
          %swap3A_232 = tpu.vector_load %arg7[%swap3A_231] {strides = array<i32>} : memref<4096xi32, #tpu.memory_space<vmem>>, vector<16xi32>,
          %swap3A_233 = vector.shape_cast %swap3A_232 : vector<16xi32> to vector<16xi32>
          %swap3A_234 = vector.shape_cast %select_n3A_230 : vector<16xi32> to vector<16xi32>
          tpu.vector_store %arg7[%swap3A_231], %swap3A_234 {strides = array<i32>} : memref<4096xi32, #tpu.memory_space<vmem>>, vector<16xi32>,
          %mul3A_235 = arith.constant 128 : i32
          %mul3A_236 = arith.muli %scan3A_166, %mul3A_235 : i32
          %add3A_237 = arith.constant 64 : i32
          %add3A_238 = arith.addi %mul3A_236, %add3A_237 : i32
          %get3A_239 = arith.index_cast %add3A_238 : i32 to index
          %get3A_240 = tpu.vector_load %arg7[%get3A_239] {strides = array<i32>} : memref<4096xi32, #tpu.memory_space<vmem>>, vector<16xi32>,
          %get3A_241 = vector.shape_cast %get3A_240 : vector<16xi32> to vector<16xi32>
          %sub3A_242 = vector.broadcast %mul3A_18 : i32 to vector<16xi32>
          %sub3A_243 = arith.subi %get3A_241, %sub3A_242 : vector<16xi32>
          %bitcast3A_244 = vector.bitcast %sub3A_243 : vector<16xi32> to vector<16xi32>
          %lt3A_245 = arith.constant 1710000 : i32
          %lt3A_246 = vector.broadcast %lt3A_245 : i32 to vector<16xi32>
          %lt3A_247 = arith.cmpi ult, %bitcast3A_244, %lt3A_246 : vector<16xi32>
          %select_n3A_248 = arith.select %lt3A_247, %sub3A_243, %add3A_3 : vector<16xi1>, vector<16xi32>
          %swap3A_249 = arith.index_cast %add3A_238 : i32 to index
          %swap3A_250 = tpu.vector_load %arg7[%swap3A_249] {strides = array<i32>} : memref<4096xi32, #tpu.memory_space<vmem>>, vector<16xi32>,
          %swap3A_251 = vector.shape_cast %swap3A_250 : vector<16xi32> to vector<16xi32>
          %swap3A_252 = vector.shape_cast %select_n3A_248 : vector<16xi32> to vector<16xi32>
          tpu.vector_store %arg7[%swap3A_249], %swap3A_252 {strides = array<i32>} : memref<4096xi32, #tpu.memory_space<vmem>>, vector<16xi32>,
          %mul3A_253 = arith.constant 128 : i32
          %mul3A_254 = arith.muli %scan3A_166, %mul3A_253 : i32
          %add3A_255 = arith.constant 80 : i32
          %add3A_256 = arith.addi %mul3A_254, %add3A_255 : i32
          %get3A_257 = arith.index_cast %add3A_256 : i32 to index
          %get3A_258 = tpu.vector_load %arg7[%get3A_257] {strides = array<i32>} : memref<4096xi32, #tpu.memory_space<vmem>>, vector<16xi32>,
          %get3A_259 = vector.shape_cast %get3A_258 : vector<16xi32> to vector<16xi32>
          %sub3A_260 = vector.broadcast %mul3A_18 : i32 to vector<16xi32>
          %sub3A_261 = arith.subi %get3A_259, %sub3A_260 : vector<16xi32>
          %bitcast3A_262 = vector.bitcast %sub3A_261 : vector<16xi32> to vector<16xi32>
          %lt3A_263 = arith.constant 1710000 : i32
          %lt3A_264 = vector.broadcast %lt3A_263 : i32 to vector<16xi32>
          %lt3A_265 = arith.cmpi ult, %bitcast3A_262, %lt3A_264 : vector<16xi32>
          %select_n3A_266 = arith.select %lt3A_265, %sub3A_261, %add3A_3 : vector<16xi1>, vector<16xi32>
          %swap3A_267 = arith.index_cast %add3A_256 : i32 to index
          %swap3A_268 = tpu.vector_load %arg7[%swap3A_267] {strides = array<i32>} : memref<4096xi32, #tpu.memory_space<vmem>>, vector<16xi32>,
          %swap3A_269 = vector.shape_cast %swap3A_268 : vector<16xi32> to vector<16xi32>
          %swap3A_270 = vector.shape_cast %select_n3A_266 : vector<16xi32> to vector<16xi32>
          tpu.vector_store %arg7[%swap3A_267], %swap3A_270 {strides = array<i32>} : memref<4096xi32, #tpu.memory_space<vmem>>, vector<16xi32>,
          %mul3A_271 = arith.constant 128 : i32
          %mul3A_272 = arith.muli %scan3A_166, %mul3A_271 : i32
          %add3A_273 = arith.constant 96 : i32
          %add3A_274 = arith.addi %mul3A_272, %add3A_273 : i32
          %get3A_275 = arith.index_cast %add3A_274 : i32 to index
          %get3A_276 = tpu.vector_load %arg7[%get3A_275] {strides = array<i32>} : memref<4096xi32, #tpu.memory_space<vmem>>, vector<16xi32>,
          %get3A_277 = vector.shape_cast %get3A_276 : vector<16xi32> to vector<16xi32>
          %sub3A_278 = vector.broadcast %mul3A_18 : i32 to vector<16xi32>
          %sub3A_279 = arith.subi %get3A_277, %sub3A_278 : vector<16xi32>
          %bitcast3A_280 = vector.bitcast %sub3A_279 : vector<16xi32> to vector<16xi32>
          %lt3A_281 = arith.constant 1710000 : i32
          %lt3A_282 = vector.broadcast %lt3A_281 : i32 to vector<16xi32>
          %lt3A_283 = arith.cmpi ult, %bitcast3A_280, %lt3A_282 : vector<16xi32>
          %select_n3A_284 = arith.select %lt3A_283, %sub3A_279, %add3A_3 : vector<16xi1>, vector<16xi32>
          %swap3A_285 = arith.index_cast %add3A_274 : i32 to index
          %swap3A_286 = tpu.vector_load %arg7[%swap3A_285] {strides = array<i32>} : memref<4096xi32, #tpu.memory_space<vmem>>, vector<16xi32>,
          %swap3A_287 = vector.shape_cast %swap3A_286 : vector<16xi32> to vector<16xi32>
          %swap3A_288 = vector.shape_cast %select_n3A_284 : vector<16xi32> to vector<16xi32>
          tpu.vector_store %arg7[%swap3A_285], %swap3A_288 {strides = array<i32>} : memref<4096xi32, #tpu.memory_space<vmem>>, vector<16xi32>,
          %mul3A_289 = arith.constant 128 : i32
          %mul3A_290 = arith.muli %scan3A_166, %mul3A_289 : i32
          %add3A_291 = arith.constant 112 : i32
          %add3A_292 = arith.addi %mul3A_290, %add3A_291 : i32
          %get3A_293 = arith.index_cast %add3A_292 : i32 to index
          %get3A_294 = tpu.vector_load %arg7[%get3A_293] {strides = array<i32>} : memref<4096xi32, #tpu.memory_space<vmem>>, vector<16xi32>,
          %get3A_295 = vector.shape_cast %get3A_294 : vector<16xi32> to vector<16xi32>
          %sub3A_296 = vector.broadcast %mul3A_18 : i32 to vector<16xi32>
          %sub3A_297 = arith.subi %get3A_295, %sub3A_296 : vector<16xi32>
          %bitcast3A_298 = vector.bitcast %sub3A_297 : vector<16xi32> to vector<16xi32>
          %lt3A_299 = arith.constant 1710000 : i32
          %lt3A_300 = vector.broadcast %lt3A_299 : i32 to vector<16xi32>
          %lt3A_301 = arith.cmpi ult, %bitcast3A_298, %lt3A_300 : vector<16xi32>
          %select_n3A_302 = arith.select %lt3A_301, %sub3A_297, %add3A_3 : vector<16xi1>, vector<16xi32>
          %swap3A_303 = arith.index_cast %add3A_292 : i32 to index
          %swap3A_304 = tpu.vector_load %arg7[%swap3A_303] {strides = array<i32>} : memref<4096xi32, #tpu.memory_space<vmem>>, vector<16xi32>,
          %swap3A_305 = vector.shape_cast %swap3A_304 : vector<16xi32> to vector<16xi32>
          %swap3A_306 = vector.shape_cast %select_n3A_302 : vector<16xi32> to vector<16xi32>
          tpu.vector_store %arg7[%swap3A_303], %swap3A_306 {strides = array<i32>} : memref<4096xi32, #tpu.memory_space<vmem>>, vector<16xi32>,
          %scan3A_307 = arith.constant 0 : i32
          scf.yield %scan3A_307 : i32
        }
        %scan3A_150 = arith.constant 32 : i32
        %dma_start3A_151 = arith.constant 0 : i32
        %dma_start3A_152 = tpu.memref_slice %arg4[%dma_start3A_151] : memref<1712128xf32, #tpu.memory_space<vmem_shared>> -> memref<1712128xf32, #tpu.memory_space<vmem_shared>>
        tpu.enqueue_indirect_dma source(%arg8 : memref<4096xf32, #tpu.memory_space<vmem>>) target(%dma_start3A_152 : memref<1712128xf32, #tpu.memory_space<vmem_shared>>) offsets(%arg7 : memref<4096xi32, #tpu.memory_space<vmem>>) semaphore(%arg15 : memref<!tpu.dma_semaphore, #tpu.memory_space<semaphore_mem>>) {add = true}
        %ge3A_153 = arith.constant 2 : i32
        %ge3A_154 = arith.cmpi sge, %add3A_136, %ge3A_153 : i32
        %convert_element_type3A_155 = arith.extui %ge3A_154 : i1 to i32
        %cond3A_156 = arith.constant 0 : i32
        %cond3A_157 = arith.cmpi ne, %convert_element_type3A_155, %cond3A_156 : i32
        scf.if %cond3A_157 {
          %dma_wait3A_166 = arith.constant 0 : i32
          %dma_wait3A_167 = tpu.memref_slice %arg4[%dma_wait3A_166] : memref<1712128xf32, #tpu.memory_space<vmem_shared>> -> memref<1712128xf32, #tpu.memory_space<vmem_shared>>
          tpu.wait_indirect_dma semaphore(%arg13 : memref<!tpu.dma_semaphore, #tpu.memory_space<semaphore_mem>>) src(%arg8 : memref<4096xf32, #tpu.memory_space<vmem>>) dst(%dma_wait3A_167 : memref<1712128xf32, #tpu.memory_space<vmem_shared>>)
        } else {
        }
        %add3A_158 = arith.constant 1 : i32
        %add3A_159 = arith.addi %add3A_136, %add3A_158 : i32
        %lt3A_160 = arith.constant 78 : i32
        %lt3A_161 = arith.cmpi slt, %add3A_159, %lt3A_160 : i32
        %convert_element_type3A_162 = arith.extui %lt3A_161 : i1 to i32
        %cond3A_163 = arith.constant 0 : i32
        %cond3A_164 = arith.cmpi ne, %convert_element_type3A_162, %cond3A_163 : i32
        scf.if %cond3A_164 {
          %add3A_166 = arith.constant 1 : i32
          %add3A_167 = arith.addi %add3A_136, %add3A_166 : i32
          %mul3A_168 = arith.constant 319488 : i32
          %mul3A_169 = arith.muli %arg1, %mul3A_168 : i32
          %mul3A_170 = arith.constant 4096 : i32
          %mul3A_171 = arith.muli %add3A_167, %mul3A_170 : i32
          %add3A_172 = arith.addi %mul3A_169, %mul3A_171 : i32
          %dma_start3A_173 = tpu.memref_slice %arg2[%add3A_172] : memref<5111808xi32, #tpu.memory_space<hbm>> -> memref<4096xi32, #tpu.memory_space<hbm>>
          %dma_start3A_174 = tpu.memref_slice %arg2[%add3A_172] : memref<5111808xi32, #tpu.memory_space<hbm>> -> memref<4096xi32, #tpu.memory_space<hbm>>
          tpu.enqueue_dma source(%dma_start3A_174 : memref<4096xi32, #tpu.memory_space<hbm>>) target(%arg5 : memref<4096xi32, #tpu.memory_space<vmem>>) target_semaphore(%arg10 : memref<!tpu.dma_semaphore, #tpu.memory_space<semaphore_mem>>)
        } else {
        }
        %scan3A_165 = arith.constant 0 : i32
        scf.yield %scan3A_165 : i32
      }
      %scan3A_39 = arith.constant 26 : i32
      %dma_wait3A = arith.constant 0 : i32
      %dma_wait3A_40 = tpu.memref_slice %arg4[%dma_wait3A] : memref<1712128xf32, #tpu.memory_space<vmem_shared>> -> memref<1712128xf32, #tpu.memory_space<vmem_shared>>
      tpu.wait_indirect_dma semaphore(%arg14 : memref<!tpu.dma_semaphore, #tpu.memory_space<semaphore_mem>>) src(%arg8 : memref<4096xf32, #tpu.memory_space<vmem>>) dst(%dma_wait3A_40 : memref<1712128xf32, #tpu.memory_space<vmem_shared>>)
      %dma_wait3A_41 = arith.constant 0 : i32
      %dma_wait3A_42 = tpu.memref_slice %arg4[%dma_wait3A_41] : memref<1712128xf32, #tpu.memory_space<vmem_shared>> -> memref<1712128xf32, #tpu.memory_space<vmem_shared>>
      tpu.wait_indirect_dma semaphore(%arg15 : memref<!tpu.dma_semaphore, #tpu.memory_space<semaphore_mem>>) src(%arg8 : memref<4096xf32, #tpu.memory_space<vmem>>) dst(%dma_wait3A_42 : memref<1712128xf32, #tpu.memory_space<vmem_shared>>)
      %barrier3A = arith.constant 0 : index
      tpu.barrier barrier_id(%barrier3A)
      %scan3A_43 = arith.constant 0 : i32
      %scan3A_44 = arith.constant 0 : i32
      %scan3A_45 = arith.constant 256 : i32
      %scan3A_46 = arith.addi %scan3A_44, %scan3A_45 : i32
      %scan3A_47 = arith.constant 1 : i32
      %scan3A_48 = scf.for %scan3A_71 = %scan3A_44 to %scan3A_46 step %scan3A_47 iter_args(%scan3A_72 = %scan3A_43) -> (i32)  : i32 {
        %broadcast_in_dim3A = arith.constant 0.000000e+00 : f32
        %broadcast_in_dim3A_73 = vector.broadcast %broadcast_in_dim3A : f32 to vector<16xf32>
        %mul3A_74 = arith.constant 16 : i32
        %mul3A_75 = arith.muli %scan3A_71, %mul3A_74 : i32
        %swap3A = arith.index_cast %mul3A_75 : i32 to index
        %swap3A_76 = tpu.vector_load %arg8[%swap3A] {strides = array<i32>} : memref<4096xf32, #tpu.memory_space<vmem>>, vector<16xf32>,
        %swap3A_77 = vector.shape_cast %swap3A_76 : vector<16xf32> to vector<16xf32>
        %swap3A_78 = vector.shape_cast %broadcast_in_dim3A_73 : vector<16xf32> to vector<16xf32>
        tpu.vector_store %arg8[%swap3A], %swap3A_78 {strides = array<i32>} : memref<4096xf32, #tpu.memory_space<vmem>>, vector<16xf32>,
        %scan3A_79 = arith.constant 0 : i32
        scf.yield %scan3A_79 : i32
      }
      %scan3A_49 = arith.constant 256 : i32
      %scan3A_50 = arith.constant 0 : i32
      %scan3A_51 = arith.constant 0 : i32
      %scan3A_52 = arith.constant 11 : i32
      %scan3A_53 = arith.addi %scan3A_51, %scan3A_52 : i32
      %scan3A_54 = arith.constant 1 : i32
      %scan3A_55 = scf.for %scan3A_71 = %scan3A_51 to %scan3A_53 step %scan3A_54 iter_args(%scan3A_72 = %scan3A_50) -> (i32)  : i32 {
        %mul3A_73 = arith.constant 11 : i32
        %mul3A_74 = arith.muli %arg1, %mul3A_73 : i32
        %add3A_75 = arith.addi %mul3A_74, %scan3A_71 : i32
        %add3A_76 = arith.addi %mul3A_16, %add3A_75 : i32
        %lt3A = arith.constant 171 : i32
        %lt3A_77 = arith.cmpi slt, %add3A_75, %lt3A : i32
        %lt3A_78 = arith.constant 1024 : i32
        %lt3A_79 = arith.cmpi slt, %add3A_76, %lt3A_78 : i32
        %and3A = arith.andi %lt3A_77, %lt3A_79 : i1
        %convert_element_type3A_80 = arith.extui %and3A : i1 to i32
        %cond3A_81 = arith.constant 0 : i32
        %cond3A_82 = arith.cmpi ne, %convert_element_type3A_80, %cond3A_81 : i32
        scf.if %cond3A_82 {
          %mul3A_84 = arith.constant 10000 : i32
          %mul3A_85 = arith.muli %add3A_75, %mul3A_84 : i32
          %add3A_86 = arith.constant 0 : i32
          %add3A_87 = arith.addi %mul3A_85, %add3A_86 : i32
          "tpu.region"() ({
            %run_scoped3A = tpu.sem_alloc : memref<!tpu.dma_semaphore, #tpu.memory_space<semaphore_mem>>
            %dma_start3A_120 = tpu.memref_slice %arg4[%add3A_87] : memref<1712128xf32, #tpu.memory_space<vmem_shared>> -> memref<5000xf32, #tpu.memory_space<vmem_shared>>
            %dma_start3A_121 = tpu.memref_slice %arg4[%add3A_87] : memref<1712128xf32, #tpu.memory_space<vmem_shared>> -> memref<5000xf32, #tpu.memory_space<vmem_shared>>
            tpu.enqueue_dma source(%dma_start3A_121 : memref<5000xf32, #tpu.memory_space<vmem_shared>>) target(%arg9 : memref<5000xf32, #tpu.memory_space<vmem>>) target_semaphore(%run_scoped3A : memref<!tpu.dma_semaphore, #tpu.memory_space<semaphore_mem>>)
            %dma_wait3A_122 = tpu.memref_slice %arg4[%add3A_87] : memref<1712128xf32, #tpu.memory_space<vmem_shared>> -> memref<5000xf32, #tpu.memory_space<vmem_shared>>
            %dma_wait3A_123 = tpu.memref_slice %arg4[%add3A_87] : memref<1712128xf32, #tpu.memory_space<vmem_shared>> -> memref<5000xf32, #tpu.memory_space<vmem_shared>>
            tpu.wait_dma2 semaphore(%run_scoped3A : memref<!tpu.dma_semaphore, #tpu.memory_space<semaphore_mem>>) src(%dma_wait3A_123 : memref<5000xf32, #tpu.memory_space<vmem_shared>>) dst(%arg9 : memref<5000xf32, #tpu.memory_space<vmem>>)
            tpu.yield
          }) : () -> ()
          %mul3A_88 = arith.constant 10000 : i32
          %mul3A_89 = arith.muli %add3A_76, %mul3A_88 : i32
          %add3A_90 = arith.constant 0 : i32
          %add3A_91 = arith.addi %mul3A_89, %add3A_90 : i32
          "tpu.region"() ({
            %run_scoped3A = tpu.sem_alloc : memref<!tpu.dma_semaphore, #tpu.memory_space<semaphore_mem>>
            %dma_start3A_120 = tpu.memref_slice %arg3[%add3A_91] : memref<10240000xf32, #tpu.memory_space<hbm>> -> memref<5000xf32, #tpu.memory_space<hbm>>
            %dma_start3A_121 = tpu.memref_slice %arg3[%add3A_91] : memref<10240000xf32, #tpu.memory_space<hbm>> -> memref<5000xf32, #tpu.memory_space<hbm>>
            tpu.enqueue_dma source(%arg9 : memref<5000xf32, #tpu.memory_space<vmem>>) target(%dma_start3A_121 : memref<5000xf32, #tpu.memory_space<hbm>>) target_semaphore(%run_scoped3A : memref<!tpu.dma_semaphore, #tpu.memory_space<semaphore_mem>>)
            %dma_wait3A_122 = tpu.memref_slice %arg3[%add3A_91] : memref<10240000xf32, #tpu.memory_space<hbm>> -> memref<5000xf32, #tpu.memory_space<hbm>>
            %dma_wait3A_123 = tpu.memref_slice %arg3[%add3A_91] : memref<10240000xf32, #tpu.memory_space<hbm>> -> memref<5000xf32, #tpu.memory_space<hbm>>
            tpu.wait_dma2 semaphore(%run_scoped3A : memref<!tpu.dma_semaphore, #tpu.memory_space<semaphore_mem>>) src(%arg9 : memref<5000xf32, #tpu.memory_space<vmem>>) dst(%dma_wait3A_123 : memref<5000xf32, #tpu.memory_space<hbm>>)
            tpu.yield
          }) : () -> ()
          %mul3A_92 = arith.constant 10000 : i32
          %mul3A_93 = arith.muli %add3A_75, %mul3A_92 : i32
          %add3A_94 = arith.constant 5000 : i32
          %add3A_95 = arith.addi %mul3A_93, %add3A_94 : i32
          "tpu.region"() ({
            %run_scoped3A = tpu.sem_alloc : memref<!tpu.dma_semaphore, #tpu.memory_space<semaphore_mem>>
            %dma_start3A_120 = tpu.memref_slice %arg4[%add3A_95] : memref<1712128xf32, #tpu.memory_space<vmem_shared>> -> memref<5000xf32, #tpu.memory_space<vmem_shared>>
            %dma_start3A_121 = tpu.memref_slice %arg4[%add3A_95] : memref<1712128xf32, #tpu.memory_space<vmem_shared>> -> memref<5000xf32, #tpu.memory_space<vmem_shared>>
            tpu.enqueue_dma source(%dma_start3A_121 : memref<5000xf32, #tpu.memory_space<vmem_shared>>) target(%arg9 : memref<5000xf32, #tpu.memory_space<vmem>>) target_semaphore(%run_scoped3A : memref<!tpu.dma_semaphore, #tpu.memory_space<semaphore_mem>>)
            %dma_wait3A_122 = tpu.memref_slice %arg4[%add3A_95] : memref<1712128xf32, #tpu.memory_space<vmem_shared>> -> memref<5000xf32, #tpu.memory_space<vmem_shared>>
            %dma_wait3A_123 = tpu.memref_slice %arg4[%add3A_95] : memref<1712128xf32, #tpu.memory_space<vmem_shared>> -> memref<5000xf32, #tpu.memory_space<vmem_shared>>
            tpu.wait_dma2 semaphore(%run_scoped3A : memref<!tpu.dma_semaphore, #tpu.memory_space<semaphore_mem>>) src(%dma_wait3A_123 : memref<5000xf32, #tpu.memory_space<vmem_shared>>) dst(%arg9 : memref<5000xf32, #tpu.memory_space<vmem>>)
            tpu.yield
          }) : () -> ()
          %mul3A_96 = arith.constant 10000 : i32
          %mul3A_97 = arith.muli %add3A_76, %mul3A_96 : i32
          %add3A_98 = arith.constant 5000 : i32
          %add3A_99 = arith.addi %mul3A_97, %add3A_98 : i32
          "tpu.region"() ({
            %run_scoped3A = tpu.sem_alloc : memref<!tpu.dma_semaphore, #tpu.memory_space<semaphore_mem>>
            %dma_start3A_120 = tpu.memref_slice %arg3[%add3A_99] : memref<10240000xf32, #tpu.memory_space<hbm>> -> memref<5000xf32, #tpu.memory_space<hbm>>
            %dma_start3A_121 = tpu.memref_slice %arg3[%add3A_99] : memref<10240000xf32, #tpu.memory_space<hbm>> -> memref<5000xf32, #tpu.memory_space<hbm>>
            tpu.enqueue_dma source(%arg9 : memref<5000xf32, #tpu.memory_space<vmem>>) target(%dma_start3A_121 : memref<5000xf32, #tpu.memory_space<hbm>>) target_semaphore(%run_scoped3A : memref<!tpu.dma_semaphore, #tpu.memory_space<semaphore_mem>>)
            %dma_wait3A_122 = tpu.memref_slice %arg3[%add3A_99] : memref<10240000xf32, #tpu.memory_space<hbm>> -> memref<5000xf32, #tpu.memory_space<hbm>>
            %dma_wait3A_123 = tpu.memref_slice %arg3[%add3A_99] : memref<10240000xf32, #tpu.memory_space<hbm>> -> memref<5000xf32, #tpu.memory_space<hbm>>
            tpu.wait_dma2 semaphore(%run_scoped3A : memref<!tpu.dma_semaphore, #tpu.memory_space<semaphore_mem>>) src(%arg9 : memref<5000xf32, #tpu.memory_space<vmem>>) dst(%dma_wait3A_123 : memref<5000xf32, #tpu.memory_space<hbm>>)
            tpu.yield
          }) : () -> ()
          %mul3A_100 = arith.constant 10000 : i32
          %mul3A_101 = arith.muli %add3A_75, %mul3A_100 : i32
          %mul3A_102 = arith.constant 10000 : i32
          %mul3A_103 = arith.muli %add3A_75, %mul3A_102 : i32
          %add3A_104 = arith.constant 4096 : i32
          %add3A_105 = arith.addi %mul3A_103, %add3A_104 : i32
          %mul3A_106 = arith.constant 10000 : i32
          %mul3A_107 = arith.muli %add3A_75, %mul3A_106 : i32
          %add3A_108 = arith.constant 8192 : i32
          %add3A_109 = arith.addi %mul3A_107, %add3A_108 : i32
          %dma_start3A_110 = tpu.memref_slice %arg4[%mul3A_101] : memref<1712128xf32, #tpu.memory_space<vmem_shared>> -> memref<4096xf32, #tpu.memory_space<vmem_shared>>
          %dma_start3A_111 = tpu.memref_slice %arg4[%mul3A_101] : memref<1712128xf32, #tpu.memory_space<vmem_shared>> -> memref<4096xf32, #tpu.memory_space<vmem_shared>>
          tpu.enqueue_dma source(%arg8 : memref<4096xf32, #tpu.memory_space<vmem>>) target(%dma_start3A_111 : memref<4096xf32, #tpu.memory_space<vmem_shared>>) target_semaphore(%arg16 : memref<!tpu.dma_semaphore, #tpu.memory_space<semaphore_mem>>)
          %dma_start3A_112 = tpu.memref_slice %arg4[%add3A_105] : memref<1712128xf32, #tpu.memory_space<vmem_shared>> -> memref<4096xf32, #tpu.memory_space<vmem_shared>>
          %dma_start3A_113 = tpu.memref_slice %arg4[%add3A_105] : memref<1712128xf32, #tpu.memory_space<vmem_shared>> -> memref<4096xf32, #tpu.memory_space<vmem_shared>>
          tpu.enqueue_dma source(%arg8 : memref<4096xf32, #tpu.memory_space<vmem>>) target(%dma_start3A_113 : memref<4096xf32, #tpu.memory_space<vmem_shared>>) target_semaphore(%arg16 : memref<!tpu.dma_semaphore, #tpu.memory_space<semaphore_mem>>)
          %dma_start3A_114 = arith.constant 0 : i32
          %dma_start3A_115 = tpu.memref_slice %arg8[%dma_start3A_114] : memref<4096xf32, #tpu.memory_space<vmem>> -> memref<1808xf32, #tpu.memory_space<vmem>>
          %dma_start3A_116 = tpu.memref_slice %arg4[%add3A_109] : memref<1712128xf32, #tpu.memory_space<vmem_shared>> -> memref<1808xf32, #tpu.memory_space<vmem_shared>>
          %dma_start3A_117 = tpu.memref_slice %arg4[%add3A_109] : memref<1712128xf32, #tpu.memory_space<vmem_shared>> -> memref<1808xf32, #tpu.memory_space<vmem_shared>>
          %dma_start3A_118 = arith.constant 0 : i32
          %dma_start3A_119 = tpu.memref_slice %arg8[%dma_start3A_118] : memref<4096xf32, #tpu.memory_space<vmem>> -> memref<1808xf32, #tpu.memory_space<vmem>>
          tpu.enqueue_dma source(%dma_start3A_119 : memref<1808xf32, #tpu.memory_space<vmem>>) target(%dma_start3A_117 : memref<1808xf32, #tpu.memory_space<vmem_shared>>) target_semaphore(%arg16 : memref<!tpu.dma_semaphore, #tpu.memory_space<semaphore_mem>>)
        } else {
        }
        %scan3A_83 = arith.constant 0 : i32
        scf.yield %scan3A_83 : i32
      }
      %scan3A_56 = arith.constant 11 : i32
      %scan3A_57 = arith.constant 0 : i32
      %scan3A_58 = arith.constant 0 : i32
      %scan3A_59 = arith.constant 11 : i32
      %scan3A_60 = arith.addi %scan3A_58, %scan3A_59 : i32
      %scan3A_61 = arith.constant 1 : i32
      %scan3A_62 = scf.for %scan3A_71 = %scan3A_58 to %scan3A_60 step %scan3A_61 iter_args(%scan3A_72 = %scan3A_57) -> (i32)  : i32 {
        %mul3A_73 = arith.constant 11 : i32
        %mul3A_74 = arith.muli %arg1, %mul3A_73 : i32
        %add3A_75 = arith.addi %mul3A_74, %scan3A_71 : i32
        %add3A_76 = arith.addi %mul3A_16, %add3A_75 : i32
        %lt3A = arith.constant 171 : i32
        %lt3A_77 = arith.cmpi slt, %add3A_75, %lt3A : i32
        %lt3A_78 = arith.constant 1024 : i32
        %lt3A_79 = arith.cmpi slt, %add3A_76, %lt3A_78 : i32
        %and3A = arith.andi %lt3A_77, %lt3A_79 : i1
        %convert_element_type3A_80 = arith.extui %and3A : i1 to i32
        %cond3A_81 = arith.constant 0 : i32
        %cond3A_82 = arith.cmpi ne, %convert_element_type3A_80, %cond3A_81 : i32
        scf.if %cond3A_82 {
          %mul3A_84 = arith.constant 10000 : i32
          %mul3A_85 = arith.muli %add3A_75, %mul3A_84 : i32
          %mul3A_86 = arith.constant 10000 : i32
          %mul3A_87 = arith.muli %add3A_75, %mul3A_86 : i32
          %add3A_88 = arith.constant 4096 : i32
          %add3A_89 = arith.addi %mul3A_87, %add3A_88 : i32
          %mul3A_90 = arith.constant 10000 : i32
          %mul3A_91 = arith.muli %add3A_75, %mul3A_90 : i32
          %add3A_92 = arith.constant 8192 : i32
          %add3A_93 = arith.addi %mul3A_91, %add3A_92 : i32
          %dma_wait3A_94 = tpu.memref_slice %arg4[%mul3A_85] : memref<1712128xf32, #tpu.memory_space<vmem_shared>> -> memref<4096xf32, #tpu.memory_space<vmem_shared>>
          %dma_wait3A_95 = tpu.memref_slice %arg4[%mul3A_85] : memref<1712128xf32, #tpu.memory_space<vmem_shared>> -> memref<4096xf32, #tpu.memory_space<vmem_shared>>
          tpu.wait_dma2 semaphore(%arg16 : memref<!tpu.dma_semaphore, #tpu.memory_space<semaphore_mem>>) src(%arg8 : memref<4096xf32, #tpu.memory_space<vmem>>) dst(%dma_wait3A_95 : memref<4096xf32, #tpu.memory_space<vmem_shared>>)
          %dma_wait3A_96 = tpu.memref_slice %arg4[%add3A_89] : memref<1712128xf32, #tpu.memory_space<vmem_shared>> -> memref<4096xf32, #tpu.memory_space<vmem_shared>>
          %dma_wait3A_97 = tpu.memref_slice %arg4[%add3A_89] : memref<1712128xf32, #tpu.memory_space<vmem_shared>> -> memref<4096xf32, #tpu.memory_space<vmem_shared>>
          tpu.wait_dma2 semaphore(%arg16 : memref<!tpu.dma_semaphore, #tpu.memory_space<semaphore_mem>>) src(%arg8 : memref<4096xf32, #tpu.memory_space<vmem>>) dst(%dma_wait3A_97 : memref<4096xf32, #tpu.memory_space<vmem_shared>>)
          %dma_wait3A_98 = arith.constant 0 : i32
          %dma_wait3A_99 = tpu.memref_slice %arg8[%dma_wait3A_98] : memref<4096xf32, #tpu.memory_space<vmem>> -> memref<1808xf32, #tpu.memory_space<vmem>>
          %dma_wait3A_100 = tpu.memref_slice %arg4[%add3A_93] : memref<1712128xf32, #tpu.memory_space<vmem_shared>> -> memref<1808xf32, #tpu.memory_space<vmem_shared>>
          %dma_wait3A_101 = tpu.memref_slice %arg4[%add3A_93] : memref<1712128xf32, #tpu.memory_space<vmem_shared>> -> memref<1808xf32, #tpu.memory_space<vmem_shared>>
          %dma_wait3A_102 = arith.constant 0 : i32
          %dma_wait3A_103 = tpu.memref_slice %arg8[%dma_wait3A_102] : memref<4096xf32, #tpu.memory_space<vmem>> -> memref<1808xf32, #tpu.memory_space<vmem>>
          tpu.wait_dma2 semaphore(%arg16 : memref<!tpu.dma_semaphore, #tpu.memory_space<semaphore_mem>>) src(%dma_wait3A_103 : memref<1808xf32, #tpu.memory_space<vmem>>) dst(%dma_wait3A_101 : memref<1808xf32, #tpu.memory_space<vmem_shared>>)
        } else {
        }
        %scan3A_83 = arith.constant 0 : i32
        scf.yield %scan3A_83 : i32
      }
      %scan3A_63 = arith.constant 11 : i32
      %eq3A_64 = arith.constant 0 : i32
      %eq3A_65 = arith.cmpi eq, %arg1, %eq3A_64 : i32
      %convert_element_type3A_66 = arith.extui %eq3A_65 : i1 to i32
      %cond3A_67 = arith.constant 0 : i32
      %cond3A_68 = arith.cmpi ne, %convert_element_type3A_66, %cond3A_67 : i32
      scf.if %cond3A_68 {
        "tpu.region"() ({
          %run_scoped3A = tpu.sem_alloc : memref<!tpu.dma_semaphore, #tpu.memory_space<semaphore_mem>>
          %dma_start3A_71 = arith.constant 0 : i32
          %dma_start3A_72 = tpu.memref_slice %arg8[%dma_start3A_71] : memref<4096xf32, #tpu.memory_space<vmem>> -> memref<2128xf32, #tpu.memory_space<vmem>>
          %dma_start3A_73 = arith.constant 1710000 : i32
          %dma_start3A_74 = tpu.memref_slice %arg4[%dma_start3A_73] : memref<1712128xf32, #tpu.memory_space<vmem_shared>> -> memref<2128xf32, #tpu.memory_space<vmem_shared>>
          %dma_start3A_75 = arith.constant 1710000 : i32
          %dma_start3A_76 = tpu.memref_slice %arg4[%dma_start3A_75] : memref<1712128xf32, #tpu.memory_space<vmem_shared>> -> memref<2128xf32, #tpu.memory_space<vmem_shared>>
          %dma_start3A_77 = arith.constant 0 : i32
          %dma_start3A_78 = tpu.memref_slice %arg8[%dma_start3A_77] : memref<4096xf32, #tpu.memory_space<vmem>> -> memref<2128xf32, #tpu.memory_space<vmem>>
          tpu.enqueue_dma source(%dma_start3A_78 : memref<2128xf32, #tpu.memory_space<vmem>>) target(%dma_start3A_76 : memref<2128xf32, #tpu.memory_space<vmem_shared>>) target_semaphore(%run_scoped3A : memref<!tpu.dma_semaphore, #tpu.memory_space<semaphore_mem>>)
          %dma_wait3A_79 = arith.constant 0 : i32
          %dma_wait3A_80 = tpu.memref_slice %arg8[%dma_wait3A_79] : memref<4096xf32, #tpu.memory_space<vmem>> -> memref<2128xf32, #tpu.memory_space<vmem>>
          %dma_wait3A_81 = arith.constant 1710000 : i32
          %dma_wait3A_82 = tpu.memref_slice %arg4[%dma_wait3A_81] : memref<1712128xf32, #tpu.memory_space<vmem_shared>> -> memref<2128xf32, #tpu.memory_space<vmem_shared>>
          %dma_wait3A_83 = arith.constant 1710000 : i32
          %dma_wait3A_84 = tpu.memref_slice %arg4[%dma_wait3A_83] : memref<1712128xf32, #tpu.memory_space<vmem_shared>> -> memref<2128xf32, #tpu.memory_space<vmem_shared>>
          %dma_wait3A_85 = arith.constant 0 : i32
          %dma_wait3A_86 = tpu.memref_slice %arg8[%dma_wait3A_85] : memref<4096xf32, #tpu.memory_space<vmem>> -> memref<2128xf32, #tpu.memory_space<vmem>>
          tpu.wait_dma2 semaphore(%run_scoped3A : memref<!tpu.dma_semaphore, #tpu.memory_space<semaphore_mem>>) src(%dma_wait3A_86 : memref<2128xf32, #tpu.memory_space<vmem>>) dst(%dma_wait3A_84 : memref<2128xf32, #tpu.memory_space<vmem_shared>>)
          tpu.yield
        }) : () -> ()
      } else {
      }
      %barrier3A_69 = arith.constant 0 : index
      tpu.barrier barrier_id(%barrier3A_69)
      %scan3A_70 = arith.constant 0 : i32
      scf.yield %scan3A_70 : i32
    }
    %scan3A_9 = arith.constant 3 : i32
    return
  }
}

module attributes {stable_mosaic.version = 14 : i64} {
  func.func @_tc_body(%arg0: i32, %arg1: memref<128x10000xf32, #tpu.memory_space<vmem>>, %arg2: memref<1x10000xf32, #tpu.memory_space<vmem>>, %arg3: memref<2x1xf32, #tpu.memory_space<smem>>, %arg4: memref<128x10000xf32, #tpu.memory_space<vmem>>) attributes {dimension_semantics = [#tpu.dimension_semantics<arbitrary>], iteration_bounds = array<i64: 8>, scalar_prefetch = 0 : i64, scratch_operands = 0 : i64, tpu.core_type = #tpu.core_type<tc>, window_params = [{transform_indices = @transform_0, window_bounds = array<i64: 128, 10000>}, {pipeline_mode = #tpu.pipeline_mode<synchronous>, transform_indices = @transform_1, window_bounds = array<i64: 1, 10000>}, {transform_indices = @transform_2, window_bounds = array<i64: 2, 1>}, {transform_indices = @transform_3, window_bounds = array<i64: 128, 10000>}]} {
    %get3A = arith.constant 0 : index
    %get3A_0 = arith.constant 0 : index
    %get3A_1 = vector.load %arg2[%get3A, %get3A_0] : memref<1x10000xf32, #tpu.memory_space<vmem>>, vector<1x10000xf32>
    %get3A_2 = arith.constant 0 : index
    %get3A_3 = arith.constant 0 : index
    %get3A_4 = memref.load %arg3[%get3A_2, %get3A_3] : memref<2x1xf32, #tpu.memory_space<smem>>
    %mul3A = vector.broadcast %get3A_4 : f32 to vector<1x10000xf32>
    %mul3A_5 = arith.mulf %get3A_1, %mul3A : vector<1x10000xf32>
    %get3A_6 = arith.constant 1 : index
    %get3A_7 = arith.constant 0 : index
    %get3A_8 = memref.load %arg3[%get3A_6, %get3A_7] : memref<2x1xf32, #tpu.memory_space<smem>>
    %add3A = vector.broadcast %get3A_8 : f32 to vector<1x10000xf32>
    %add3A_9 = arith.addf %mul3A_5, %add3A : vector<1x10000xf32>
    %neg3A = arith.constant 0.000000e+00 : f32
    %neg3A_10 = vector.broadcast %neg3A : f32 to vector<1x10000xf32>
    %neg3A_11 = arith.subf %neg3A_10, %add3A_9 : vector<1x10000xf32>
    %max3A = arith.constant 0.000000e+00 : f32
    %max3A_12 = vector.broadcast %max3A : f32 to vector<1x10000xf32>
    %max3A_13 = arith.maximumf %neg3A_11, %max3A_12 : vector<1x10000xf32>
    %abs3A = math.absf %neg3A_11 : vector<1x10000xf32>
    %neg3A_14 = arith.constant 0.000000e+00 : f32
    %neg3A_15 = vector.broadcast %neg3A_14 : f32 to vector<1x10000xf32>
    %neg3A_16 = arith.subf %neg3A_15, %abs3A : vector<1x10000xf32>
    %exp3A = math.exp %neg3A_16 : vector<1x10000xf32>
    %add3A_17 = arith.constant 1.000000e+00 : f32
    %add3A_18 = vector.broadcast %add3A_17 : f32 to vector<1x10000xf32>
    %add3A_19 = arith.addf %add3A_18, %exp3A : vector<1x10000xf32>
    %log3A = math.log %add3A_19 : vector<1x10000xf32>
    %add3A_20 = arith.addf %max3A_13, %log3A : vector<1x10000xf32>
    %neg3A_21 = arith.constant 0.000000e+00 : f32
    %neg3A_22 = vector.broadcast %neg3A_21 : f32 to vector<1x10000xf32>
    %neg3A_23 = arith.subf %neg3A_22, %add3A_20 : vector<1x10000xf32>
    %max3A_24 = arith.constant 0.000000e+00 : f32
    %max3A_25 = vector.broadcast %max3A_24 : f32 to vector<1x10000xf32>
    %max3A_26 = arith.maximumf %add3A_9, %max3A_25 : vector<1x10000xf32>
    %abs3A_27 = math.absf %add3A_9 : vector<1x10000xf32>
    %neg3A_28 = arith.constant 0.000000e+00 : f32
    %neg3A_29 = vector.broadcast %neg3A_28 : f32 to vector<1x10000xf32>
    %neg3A_30 = arith.subf %neg3A_29, %abs3A_27 : vector<1x10000xf32>
    %exp3A_31 = math.exp %neg3A_30 : vector<1x10000xf32>
    %add3A_32 = arith.constant 1.000000e+00 : f32
    %add3A_33 = vector.broadcast %add3A_32 : f32 to vector<1x10000xf32>
    %add3A_34 = arith.addf %add3A_33, %exp3A_31 : vector<1x10000xf32>
    %log3A_35 = math.log %add3A_34 : vector<1x10000xf32>
    %add3A_36 = arith.addf %max3A_26, %log3A_35 : vector<1x10000xf32>
    %neg3A_37 = arith.constant 0.000000e+00 : f32
    %neg3A_38 = vector.broadcast %neg3A_37 : f32 to vector<1x10000xf32>
    %neg3A_39 = arith.subf %neg3A_38, %add3A_36 : vector<1x10000xf32>
    %get3A_40 = arith.constant 0 : index
    %get3A_41 = arith.constant 0 : index
    %get3A_42 = vector.load %arg1[%get3A_40, %get3A_41] : memref<128x10000xf32, #tpu.memory_space<vmem>>, vector<128x10000xf32>
    %mul3A_43 = vector.broadcast %neg3A_39 : vector<1x10000xf32> to vector<128x10000xf32>
    %mul3A_44 = arith.mulf %get3A_42, %mul3A_43 : vector<128x10000xf32>
    %add3A_45 = vector.broadcast %neg3A_23 : vector<1x10000xf32> to vector<128x10000xf32>
    %add3A_46 = arith.addf %mul3A_44, %add3A_45 : vector<128x10000xf32>
    %swap3A = arith.constant 0 : index
    %swap3A_47 = arith.constant 0 : index
    %swap3A_48 = vector.load %arg4[%swap3A, %swap3A_47] : memref<128x10000xf32, #tpu.memory_space<vmem>>, vector<128x10000xf32>
    tpu.vector_store %arg4[%swap3A, %swap3A_47], %add3A_46 {strides = array<i32>} : memref<128x10000xf32, #tpu.memory_space<vmem>>, vector<128x10000xf32>,
    return
  }
  func.func @transform_0(%arg0: i32) -> (i32, i32) {
    %c0_i32 = arith.constant 0 : i32
    %c0_i32_0 = arith.constant 0 : i32
    return %arg0, %c0_i32 : i32, i32
  }
  func.func @transform_1(%arg0: i32) -> (i32, i32) {
    %c0_i32 = arith.constant 0 : i32
    %c0_i32_0 = arith.constant 0 : i32
    %c0_i32_1 = arith.constant 0 : i32
    return %c0_i32, %c0_i32_0 : i32, i32
  }
  func.func @transform_2(%arg0: i32) -> (i32, i32) {
    %c0_i32 = arith.constant 0 : i32
    %c0_i32_0 = arith.constant 0 : i32
    %c0_i32_1 = arith.constant 0 : i32
    return %c0_i32, %c0_i32_0 : i32, i32
  }
  func.func @transform_3(%arg0: i32) -> (i32, i32) {
    %c0_i32 = arith.constant 0 : i32
    %c0_i32_0 = arith.constant 0 : i32
    return %arg0, %c0_i32 : i32, i32
  }
}

</mosaic_0001>

<sc_bundles>
// kernel: kernel.4.cloned.1.call-start
scs
__scs_entry_jumppad:
0x0: {  	(pc) =	sbr.rel $0x88, $3  }
0x1: {  	(tag) =	ssettag $0x0;
	lr =	simm.s32 $0x1  }
0x2: {  	[smem:$0x3F9C] =	sst lr;
	_ =	strace $0xD0000000  }
0x3: {  	_ = 	snop  }
0x4: {  	_ = 	snop  }
0x5: {  	_ = 	snop  }
0x6: {  	_ = 	snop  }
0x7: {  	_ = 	snop  }
__scs_overlays_trampoline_lowered:
0x8: {  	[smem:$0x3FAB] =	sst s0  }
0x9: {  	[smem:$0x3FAC] =	sst s1  }
0xa: {  	[smem:$0x3FAD] =	sst s2  }
0xb: {  	[smem:$0x3FAE] =	sst s3  }
0xc: {  	[smem:$0x3FAF] =	sst s4  }
0xd: {  	[smem:$0x3FB0] =	sst s5  }
0xe: {  	[smem:$0x3FB1] =	sst s6  }
0xf: {  	[smem:$0x3FB2] =	sst s7  }
0x10: {  	[smem:$0x3FB3] =	sst s8  }
0x11: {  	[smem:$0x3FB4] =	sst s9;
	s0 =	simm.s32 @!p0 $0x0  }
0x12: {  	s1 =	sld [smem:$0x3F9A];
	s0 =	simm.s32 @p0 $0x1  }
0x13: {  	[smem:$0x3FB5] =	sst s0;
	s0 =	simm.s32 @!p1 $0x0  }
0x14: {  	s2 =	sld [smem:$0x3F99];
	s0 =	simm.s32 @p1 $0x1  }
0x15: {  	[smem:$0x3FB6] =	sst s0;
	s0 =	simm.s32 @!p2 $0x0  }
0x16: {  	s3 =	sld [smem:$0x3FDB];
	s0 =	simm.s32 @p2 $0x1  }
0x17: {  	s4 =	simm.s32 $0x1BF5;
	[smem:$0x3FB8] =	sst s0  }
0x18: {  	s0 =	sld [smem:$0x3F9B];
	_ =	swait.ge [sflag:s4], $0x0  }
0x19: {  	s7 =	sld [smem:$0x3F9C]  }
0x1a: {  	s8 =	sadd.s32 $0xFFFFE003, lr  }
0x1b: {  	s9 =	sadd.s32 $0xFFFFFEF7, lr;
	s5 =	simm.s32 $0xFFFFFFFF;
	p2 =	slt.u32 s8, $0xFFFFF086  }
0x1c: {  	p1 =	slt.u32 s9, $0xF7A;
	s5 =	simm.s32 @!p2 $0x0  }
0x1d: {  	s5 =	simm.s32 @p1 $0x1;
	p0 =	seq.s32 s7, s2  }
0x1e: {  	s7 =	smul.u32 @!p0 $0xF7A, s2;
	p2 =	seq.s32 @!p0 s5, $0x0  }
0x1f: {  	s9 =	smul.u32 $0xF7A, s1;
	s8 =	simm.s32 @!p0 $0x1BF5;
	p2 =	por !p2, p0  }
0x20: {  	[sflag:s8] =	ssyncset.s32 @!p0 $0xFFFFF086;
	s6 =	sadd.s32 @!p0 s3, s7;
	s7 =	simm.s32 @!p0 $0x108  }
0x21: {  	s3 =	sadd.s32 s3, s9;
	s6 =	sadd.s32 @!p0 $0x88, s6;
	s7 =	simm.s32 @p2 $0x1082  }
0x22: {  	[simem:s7], [sflag:s8] =	dma.local @!p0 [hbm:s6], $0xF7A  }
0x23: {  	s9 =	sor.u32 $0xD0000000, s2;
	s6 =	simm.s32 $0x108;
	_ =	swait.ge @!p0 [sflag:s8], $0x0  }
0x24: {  	s3 =	sadd.s32 $0x88, s3;
	s6 =	simm.s32 @!p1 $0x1082;
	[sflag:s4] =	ssyncset.s32 $0xFFFFF086  }
0x25: {  	[simem:s6], [sflag:s4] =	dma.local [hbm:s3], $0xF7A  }
0x26: {  	[smem:$0x3F9C] =	sst s1;
	(tag) =	ssettag s2;
	_ =	strace s9  }
0x27: {  	s1 =	sld [smem:$0x3FAC]  }
0x28: {  	s2 =	sld [smem:$0x3FAD]  }
0x29: {  	s4 =	sld [smem:$0x3FAF]  }
0x2a: {  	p0 =	seq.s32 s5, $0x0;
	s5 =	sld [smem:$0x3FB0]  }
0x2b: {  	s6 =	sld [smem:$0x3FB1]  }
0x2c: {  	s7 =	sld [smem:$0x3FB2]  }
0x2d: {  	s3 =	simm.s32 $0x108;
	s8 =	sld [smem:$0x3FB3]  }
0x2e: {  	s3 =	simm.s32 @!p0 $0x1082;
	s9 =	sld [smem:$0x3FB4]  }
0x2f: {  	lr =	sadd.s32 s0, s3;
	s0 =	sld [smem:$0x3FAB]  }
0x30: {  	s3 =	sld [smem:$0x3FAE]  }
0x31: {  	[smem:$0x3FB7] =	sst s10  }
0x32: {  	s10 =	sld [smem:$0x3FB5];
	_ =	sdelay $0x3  }
0x33: {  	p0 =	seq.s32 s10, $0x1;
	s10 =	sld [smem:$0x3FB7];
	_ =	sdelay $0x3  }
0x34: {  	[smem:$0x3FB7] =	sst s10  }
0x35: {  	s10 =	sld [smem:$0x3FB6];
	_ =	sdelay $0x3  }
0x36: {  	p1 =	seq.s32 s10, $0x1;
	s10 =	sld [smem:$0x3FB7];
	_ =	sdelay $0x3  }
0x37: {  	[smem:$0x3FB7] =	sst s10  }
0x38: {  	s10 =	sld [smem:$0x3FB8]  }
0x39: {  	_ = 	snop;
	(pc) =	sbr.ind lr, $3  }
0x3a: {  	_ = 	snop  }
0x3b: {  	_ = 	snop  }
0x3c: {  	p2 =	seq.s32 s10, $0x1;
	s10 =	sld [smem:$0x3FB7]  }
0x3d: {  	_ =	shalt  }
0x3e: {  	_ =	shalt  }
0x3f: {  	_ =	shalt  }
0x40: {  	_ =	shalt  }
0x41: {  	_ =	shalt  }
0x42: {  	_ =	shalt  }
0x43: {  	_ =	shalt  }
0x44: {  	_ =	shalt  }
0x45: {  	_ =	shalt  }
0x46: {  	_ =	shalt  }
0x47: {  	_ =	shalt  }
0x48: {  	_ =	shalt  }
0x49: {  	_ =	shalt  }
0x4a: {  	_ =	shalt  }
0x4b: {  	_ =	shalt  }
0x4c: {  	_ =	shalt  }
0x4d: {  	_ =	shalt  }
0x4e: {  	_ =	shalt  }
0x4f: {  	_ =	shalt  }
0x50: {  	_ =	shalt  }
0x51: {  	_ =	shalt  }
0x52: {  	_ =	shalt  }
0x53: {  	_ =	shalt  }
0x54: {  	_ =	shalt  }
0x55: {  	_ =	shalt  }
0x56: {  	_ =	shalt  }
0x57: {  	_ =	shalt  }
0x58: {  	_ =	shalt  }
0x59: {  	_ =	shalt  }
0x5a: {  	_ =	shalt  }
0x5b: {  	_ =	shalt  }
0x5c: {  	_ =	shalt  }
0x5d: {  	_ =	shalt  }
0x5e: {  	_ =	shalt  }
0x5f: {  	_ =	shalt  }
0x60: {  	_ =	shalt  }
0x61: {  	_ =	shalt  }
0x62: {  	_ =	shalt  }
0x63: {  	_ =	shalt  }
0x64: {  	_ =	shalt  }
0x65: {  	_ =	shalt  }
0x66: {  	_ =	shalt  }
0x67: {  	_ =	shalt  }
0x68: {  	_ =	shalt  }
0x69: {  	_ =	shalt  }
0x6a: {  	_ =	shalt  }
0x6b: {  	_ =	shalt  }
0x6c: {  	_ =	shalt  }
0x6d: {  	_ =	shalt  }
0x6e: {  	_ =	shalt  }
0x6f: {  	_ =	shalt  }
0x70: {  	_ =	shalt  }
0x71: {  	_ =	shalt  }
0x72: {  	_ =	shalt  }
0x73: {  	_ =	shalt  }
0x74: {  	_ =	shalt  }
0x75: {  	_ =	shalt  }
0x76: {  	_ =	shalt  }
0x77: {  	_ =	shalt  }
0x78: {  	_ =	shalt  }
0x79: {  	_ =	shalt  }
0x7a: {  	_ =	shalt  }
0x7b: {  	_ =	shalt  }
0x7c: {  	_ =	shalt  }
0x7d: {  	_ =	shalt  }
0x7e: {  	_ =	shalt  }
0x7f: {  	_ =	shalt  }
0x80: {  	_ =	shalt  }
0x81: {  	_ =	shalt  }
0x82: {  	_ =	shalt  }
0x83: {  	_ =	shalt  }
0x84: {  	_ =	shalt  }
0x85: {  	_ =	shalt  }
0x86: {  	_ =	shalt  }
0x87: {  	_ =	shalt  }
.Lfunc_end0:
.L_simem_size_0:
called_computation_lowered:
.L_overlay_start_0:
0x88: {  	s2 =	sld [smem:$0x3FD9]  }
0x89: {  	s3 =	sld [smem:$0x3FFE];
	_ =	sdelay $0x1  }
0x8a: {  	s1 =	srdreg.scid  }
0x8b: {  	s0 =	sand.u32 $0x1, s1  }
0x8c: {  	s17 =	sshll.u32 s0, $0xA;
	s2 =	sadd.s32 s3, s2  }
0x8d: {  	s2 =	sadd.s32 s2, s17  }
0x8e: {  	[smem:$0x3FC3] =	sst s2  }
0x8f: {  	_ = 	snop  }
0x90: {  	s2 =	sld [smem:$0x3FD0];
	(tm) =	ssettm $0x1  }
0x91: {  	s18 =	sld [smem:$0x3FFB];
	_ =	sdelay $0x3  }
0x92: {  	_ =	strace s18  }
0x93: {  	s3 =	sld [smem:$0x3FFC];
	_ =	sdelay $0x3  }
0x94: {  	_ =	strace s3  }
0x95: {  	s3 =	sld [smem:$0x3FFD];
	_ =	sdelay $0x3  }
0x96: {  	_ =	strace s3  }
0x97: {  	_ =	strace $0x8FFFFFFF  }
0x98: {  	s19 =	sld [smem:$0x3FDB];
	_ =	sdelay $0x1  }
0x99: {  	s4 =	simm.s32 $_scs_section_size  }
0x9a: {  	s5 =	simm.s32 $_size__tile_overlayer_lowered;
	s6 =	simm.s32 $_tile_overlayer_lowered  }
0x9b: {  	s22 =	simm.s32 $0x1BFF;
	s21 =	sshll.u32 s6, $0x1;
	s3 =	sadd.s32 s4, s19  }
0x9c: {  	s7 =	simm.s32 $0x0;
	s20 =	sshll.u32 s5, $0x1;
	s5 =	sadd.s32 s21, s3  }
0x9d: {  	[timem:s7], [sflag:s22] =	dma.local [hbm:s5], s20  }
0x9e: {  	_ =	swait.ge [sflag:s22], s20  }
0x9f: {  	s4 =	ssub.s32 $0x0, s20;
	[sflag:s22] =	ssyncset.done $0x0  }
0xa0: {  	[sflag:s22] =	ssyncadd.s32 s4;
	_ =	sdelay $0x1  }
0xa1: {  	s23 =	simm.s32 $0x1B8B  }
0xa2: {  	_ =	swait.ge [sflag:s23], $0x1  }
0xa3: {  	[sflag:s23] =	ssyncset.done $0x0  }
0xa4: {  	s25 =	simm.s32 $0x1B8E;
	s24 =	sld [smem:$0x3FFE];
	[sflag:s23] =	ssyncadd.s32 $0xFFFFFFFF  }
0xa5: {  	s26 =	simm.s32 $execute0_lowered;
	[smem:$0x3FD2] =	sst s25  }
0xa6: {  	s5 =	sshll.u32 s26, $0x1;
	_ =	strace $0x80000046;
	[dreg:$0x1] =	wrdreg $0xFFFFFFFF  }
0xa7: {  	s28 =	simm.s32 $_size_execute0_lowered;
	s3 =	sadd.s32 s3, s5;
	[dreg:$0x0] =	wrdreg $0x0  }
0xa8: {  	s5 =	sshll.u32 s28, $0x1;
	[dreg:$0x2] =	wrdreg s3  }
0xa9: {  	[dreg:$0x3] =	wrdreg s5  }
0xaa: {  	[dreg:$0x4] =	wrdreg $0xC0  }
0xab: {  	_ =	task [dreg:s7], $0x5FFFF  }
0xac: {  	[dreg:$0x1] =	wrdreg $0xFFFFFFFF  }
0xad: {  	[dreg:$0x0] =	wrdreg $0x60  }
0xae: {  	[dreg:$0x2] =	wrdreg s24  }
0xaf: {  	[dreg:$0x3] =	wrdreg s2  }
0xb0: {  	[dreg:$0x4] =	wrdreg $0x0  }
0xb1: {  	[dreg:$0x5] =	wrdreg $0x9  }
0xb2: {  	_ =	task.clear_ibuf [dreg:s7], $0x6FFFF;
	_ =	strace $0x90000046  }
0xb3: {  	s29 =	simm.s32 $0x9;
	_ =	strace $0x80000048  }
0xb4: {  	_ =	swait.ge [sflag:s29], $0x1  }
0xb5: {  	[sflag:s29] =	ssyncadd.s32 $0xFFFFFFFF  }
0xb6: {  	_ =	strace $0x90000048  }
0xb7: {  	_ =	sfence  }
0xb8: {  	s30 =	sld [smem:$0x0];
	_ =	sdelay $0x2  }
0xb9: {  	s31 =	sshll.u32 s1, $0xD;
	s1 =	sshrl.u32 s1, $0x2  }
0xba: {  	s3 =	sand.u32 $0x4000, s31;
	s1 =	sadd.s32 s1, s30  }
0xbb: {  	s0 =	sor.u32 s3, s0;
	s1 =	sshll.u32 s1, $0x11  }
0xbc: {  	s0 =	sor.u32 s1, s0  }
0xbd: {  	s0 =	sadd.s32 $0x8F2B, s0  }
0xbe: {  	[sflag:s0] =	ssyncadd.remote.s32 $0x1  }
0xbf: {  	_ =	sfence.sel $0xFFFF  }
0xc0: {  	[dreg:$0x0] =	wrdreg $0xFFFFFFFF;
	(pc) =	sbr.abs _section_cstart, $3  }
0xc1: {  	[dreg:$0x1] =	wrdreg $0xFFFFFFFF  }
0xc2: {  	_ =	task.clear_ibuf [dreg:s7], $0x2FFFF;
	_ =	strace $0x9FFFFFFF  }
0xc3: {  	(tm) =	ssettm $0x7FFFFFFF  }
tec
execute0_lowered:
.L_overlay_start_1:
0x0: {  	(tag) =	ssettag $0x1  }
0x1: {  	s0 =	rddreg [dreg:$0x0];
	s5 =	stileid.u32  }
0x2: {  	s3 =	rddreg [dreg:$0x1];
	s6 =	smul.u32 $0x68800, s5  }
0x3: {  	s1 =	rddreg [dreg:$0x2];
	s2 =	simm.s32 $0x0;
	s4 =	srdreg.scid  }
0x4: {  	[smem:$0x7FF] =	sst s2;
	s11 =	sand.u32 $0x1, s4;
	s6 =	sshrl.u32 s6, $0x2  }
0x5: {  	_ =	strace $0x80000047;
	[dreg:$0x4] =	wrdreg s11;
	s12 =	sadd.s32 s6, s1  }
0x6: {  	s20 =	sadd.s32 $0x1000, s12;
	[dreg:$0x5] =	wrdreg s12  }
0x7: {  	s4 =	sadd.s32 $0x600, s0;
	s21 =	sadd.s32 $0x2000, s12;
	[dreg:$0x6] =	wrdreg s20  }
0x8: {  	s8 =	sshll.u32 s5, $0x4;
	s22 =	sadd.s32 $0x3000, s12;
	[dreg:$0x7] =	wrdreg s21  }
0x9: {  	s23 =	smul.u32 $0x4E000, s5;
	s24 =	sadd.s32 $0x4000, s12;
	[dreg:$0x8] =	wrdreg s22  }
0xa: {  	s15 =	smul.u32 $0x1ADB0, s5;
	s25 =	sadd.s32 $0x5000, s12;
	[dreg:$0x9] =	wrdreg s24  }
0xb: {  	s18 =	smul.u32 $0x6B6C0, s5;
	s9 =	sadd.s32 $0x6000, s12;
	[dreg:$0xa] =	wrdreg s25  }
0xc: {  	s19 =	ssub.s32 $0x2, s11;
	s14 =	sadd.s32 $0x7000, s12;
	[dreg:$0xb] =	wrdreg s9  }
0xd: {  	s26 =	smul.u32 $0x1A17B0, s11;
	s10 =	sadd.s32 $0x8000, s12;
	[dreg:$0xc] =	wrdreg s14  }
0xe: {  	s7 =	sshrl.u32 s19, $0x1;
	s16 =	sadd.s32 $0x9000, s12;
	[dreg:$0xd] =	wrdreg s10  }
0xf: {  	s0 =	ssub.s32 s19, s7;
	s13 =	sadd.s32 $0xA000, s12;
	[dreg:$0xe] =	wrdreg s16  }
0x10: {  	s6 =	sadd.s32 $0x1A17B0, s8;
	s0 =	smax.u32 s0, $0x1;
	[dreg:$0xf] =	wrdreg s13  }
0x11: {  	s8 =	sadd.s32 s15, s26;
	s26 =	sadd.s32 $0xD000, s12;
	[dreg:$0x13] =	wrdreg s0  }
0x12: {  	s17 =	sshrl.u32 s23, $0x3;
	s7 =	sadd.s32 $0x10000, s12;
	[dreg:$0x16] =	wrdreg s26  }
0x13: {  	s19 =	sshrl.u32 s18, $0x2;
	s15 =	sadd.s32 $0x16000, s12;
	[dreg:$0x19] =	wrdreg s7  }
0x14: {  	s18 =	sadd.s32 $0x18000, s12;
	s10 =	sadd.s32 s4, s17;
	[dreg:$0x1f] =	wrdreg s15  }
0x15: {  	s17 =	sor.u32 $0x1000, s23;
	s20 =	sadd.s32 $0x2000, s23;
	[smem:$0x7F9] =	sst s18  }
0x16: {  	s21 =	sadd.s32 $0x3000, s23;
	s23 =	sadd.s32 $0xB000, s12;
	[dreg:$0x10] =	wrdreg s10  }
0x17: {  	p0 =	sne.s32 s5, $0x0;
	s25 =	sadd.s32 $0xC000, s12;
	[dreg:$0x14] =	wrdreg s23  }
0x18: {  	s22 =	smul.u32 $0xB, s5;
	s5 =	sadd.s32 $0xF000, s12;
	[dreg:$0x15] =	wrdreg s25  }
0x19: {  	s28 =	simm.s32 $0x1B200;
	s13 =	sadd.s32 $0x14000, s12;
	[dreg:$0x18] =	wrdreg s5  }
0x1a: {  	s29 =	simm.s32 $0x2;
	s14 =	sadd.s32 $0x15000, s12;
	[dreg:$0x1d] =	wrdreg s13  }
0x1b: {  	s9 =	sshrl.u32 s8, $0x3;
	s16 =	sadd.s32 $0x17000, s12;
	[dreg:$0x1e] =	wrdreg s14  }
0x1c: {  	s24 =	sadd.s32 s19, s1;
	s19 =	sadd.s32 $0x19000, s12;
	[smem:$0x7F8] =	sst s16  }
0x1d: {  	s30 =	simm.s32 $0x1C200;
	s9 =	sadd.s32 s9, s3;
	[smem:$0x7FA] =	sst s19  }
0x1e: {  	s31 =	simm.s32 $0x3;
	s10 =	sadd.s32 $0x13000, s12;
	[dreg:$0x11] =	wrdreg s9  }
0x1f: {  	s8 =	sadd.s32 $0x1388, s8;
	s23 =	sadd.s32 $0x1A000, s12;
	[dreg:$0x1c] =	wrdreg s10  }
0x20: {  	s26 =	smul.u32 $0xAB, s11;
	s25 =	sadd.s32 $0x1A17B0, s1;
	[smem:$0x7FB] =	sst s23  }
0x21: {  	s15 =	simm.s32 $0x1A200;
	s8 =	sshrl.u32 s8, $0x3;
	[smem:$0x7FC] =	sst s25  }
0x22: {  	s0 =	simm.s32 $0x4;
	s3 =	sadd.s32 s8, s3;
	[smem:$0x7FD] =	sst s26  }
0x23: {  	s13 =	simm.s32 $0x1D200;
	s8 =	sadd.s32 $0x11000, s12;
	[dreg:$0x12] =	wrdreg s3  }
0x24: {  	s14 =	simm.s32 $0x7;
	s9 =	sadd.s32 $0x12000, s12;
	[dreg:$0x1a] =	wrdreg s8  }
0x25: {  	v0 =	vlaneseq.u32;
	s5 =	simm.s32 $0x0;
	s3 =	sadd.s32 $0xE000, s12;
	[dreg:$0x1b] =	wrdreg s9  }
0x26: {  	v1 =	vimm.f32 $0.0e+00;
	v2 =	vimm.f32 $1.000000000e+00;
	v0 =	vor.u32 s6, v0;
	s25 =	simm.s32 $0x1;
	s26 =	simm.s32 $0x1000;
	[dreg:$0x17] =	wrdreg s3  }
.LBB2_1:
0x27: {  	[smem:$0x7F7] =	sst s5  }
0x28: {  	s19 =	sld [smem:$0x7FD]  }
0x29: {  	s6 =	rddreg [dreg:$0x12]  }
0x2a: {  	s7 =	rddreg [dreg:$0x11];
	s8 =	simm.s32 $0x0  }
.LBB2_2:
0x2b: {  	p1 =	sne.s32 s8, $0x0  }
.Ltmp0:
0x2c: {  	_ = 	snop;
	(pc) =	sbr.rel @p1 .LBB2_6-.Ltmp0, $1  }
0x2d: {  	_ =	sdelay $0x3  }
0x2e: {  	s3 =	simm.s32 $0x40;
	s5 =	simm.s32 $0x0  }
.LBB2_4:
0x2f: {  	p1 =	sne.s32 s3, $0x3FC0;
	[tilespmem:s5+$0x1D200] =	vst v1;
	s5 =	smov.u32 s3;
	s3 =	sadd.s32 $0x40, s3  }
.Ltmp1:
0x30: {  	(pc) =	sbr.rel @p1 .LBB2_4-.Ltmp1, $2  }
0x31: {  	_ =	sdelay $0x2  }
0x32: {  	s5 =	sshra.s32 s5, $0x2  }
0x33: {  	s3 =	rddreg [dreg:$0x5]  }
0x34: {  	[tilespmem:s5+$0x1D200] =	vst v1;
	s18 =	rddreg [dreg:$0x6]  }
0x35: {  	[spmem:s3] =	stream.linear.scatter [tilespmem:s13], [sflag:$0x7], $0x1000, $0x38;
	[tilespmem:$0x1F600] =	vst v63  }
0x36: {  	s23 =	rddreg [dreg:$0x7]  }
0x37: {  	[spmem:s18] =	stream.linear.scatter [tilespmem:s13], [sflag:$0x7], $0x1000, $0x38;
	[tilespmem:$0x1F600] =	vst v63  }
0x38: {  	s5 =	rddreg [dreg:$0x8]  }
0x39: {  	[spmem:s23] =	stream.linear.scatter [tilespmem:s13], [sflag:$0x7], $0x1000, $0x38;
	[tilespmem:$0x1F600] =	vst v63  }
0x3a: {  	s9 =	rddreg [dreg:$0x9]  }
0x3b: {  	[spmem:s5] =	stream.linear.scatter [tilespmem:s13], [sflag:$0x7], $0x1000, $0x38;
	[tilespmem:$0x1F600] =	vst v63  }
0x3c: {  	s10 =	rddreg [dreg:$0xa]  }
0x3d: {  	[spmem:s9] =	stream.linear.scatter [tilespmem:s13], [sflag:$0x7], $0x1000, $0x38;
	[tilespmem:$0x1F600] =	vst v63  }
0x3e: {  	s11 =	rddreg [dreg:$0xb]  }
0x3f: {  	[spmem:s10] =	stream.linear.scatter [tilespmem:s13], [sflag:$0x7], $0x1000, $0x38;
	[tilespmem:$0x1F600] =	vst v63  }
0x40: {  	s12 =	rddreg [dreg:$0xc]  }
0x41: {  	[spmem:s11] =	stream.linear.scatter [tilespmem:s13], [sflag:$0x7], $0x1000, $0x38;
	[tilespmem:$0x1F600] =	vst v63  }
0x42: {  	s16 =	rddreg [dreg:$0xd]  }
0x43: {  	[spmem:s12] =	stream.linear.scatter [tilespmem:s13], [sflag:$0x7], $0x1000, $0x38;
	[tilespmem:$0x1F600] =	vst v63  }
0x44: {  	s18 =	rddreg [dreg:$0xe]  }
0x45: {  	[spmem:s16] =	stream.linear.scatter [tilespmem:s13], [sflag:$0x7], $0x1000, $0x38;
	[tilespmem:$0x1F600] =	vst v63  }
0x46: {  	s23 =	rddreg [dreg:$0xf]  }
0x47: {  	[spmem:s18] =	stream.linear.scatter [tilespmem:s13], [sflag:$0x7], $0x1000, $0x38;
	[tilespmem:$0x1F600] =	vst v63  }
0x48: {  	s5 =	rddreg [dreg:$0x14]  }
0x49: {  	[spmem:s23] =	stream.linear.scatter [tilespmem:s13], [sflag:$0x7], $0x1000, $0x38;
	[tilespmem:$0x1F600] =	vst v63  }
0x4a: {  	s9 =	rddreg [dreg:$0x15]  }
0x4b: {  	[spmem:s5] =	stream.linear.scatter [tilespmem:s13], [sflag:$0x7], $0x1000, $0x38;
	[tilespmem:$0x1F600] =	vst v63  }
0x4c: {  	s10 =	rddreg [dreg:$0x16]  }
0x4d: {  	[spmem:s9] =	stream.linear.scatter [tilespmem:s13], [sflag:$0x7], $0x1000, $0x38;
	[tilespmem:$0x1F600] =	vst v63  }
0x4e: {  	s11 =	rddreg [dreg:$0x17]  }
0x4f: {  	[spmem:s10] =	stream.linear.scatter [tilespmem:s13], [sflag:$0x7], $0x1000, $0x38;
	[tilespmem:$0x1F600] =	vst v63  }
0x50: {  	s12 =	rddreg [dreg:$0x18]  }
0x51: {  	[spmem:s11] =	stream.linear.scatter [tilespmem:s13], [sflag:$0x7], $0x1000, $0x38;
	[tilespmem:$0x1F600] =	vst v63  }
0x52: {  	s16 =	rddreg [dreg:$0x19]  }
0x53: {  	[spmem:s12] =	stream.linear.scatter [tilespmem:s13], [sflag:$0x7], $0x1000, $0x38;
	[tilespmem:$0x1F600] =	vst v63  }
0x54: {  	s18 =	rddreg [dreg:$0x1a]  }
0x55: {  	[spmem:s16] =	stream.linear.scatter [tilespmem:s13], [sflag:$0x7], $0x1000, $0x38;
	[tilespmem:$0x1F600] =	vst v63  }
0x56: {  	s23 =	rddreg [dreg:$0x1b]  }
0x57: {  	[spmem:s18] =	stream.linear.scatter [tilespmem:s13], [sflag:$0x7], $0x1000, $0x38;
	[tilespmem:$0x1F600] =	vst v63  }
0x58: {  	s5 =	rddreg [dreg:$0x1c]  }
0x59: {  	[spmem:s23] =	stream.linear.scatter [tilespmem:s13], [sflag:$0x7], $0x1000, $0x38;
	[tilespmem:$0x1F600] =	vst v63  }
0x5a: {  	s9 =	rddreg [dreg:$0x1d]  }
0x5b: {  	[spmem:s5] =	stream.linear.scatter [tilespmem:s13], [sflag:$0x7], $0x1000, $0x38;
	[tilespmem:$0x1F600] =	vst v63  }
0x5c: {  	s10 =	rddreg [dreg:$0x1e]  }
0x5d: {  	[spmem:s9] =	stream.linear.scatter [tilespmem:s13], [sflag:$0x7], $0x1000, $0x38;
	[tilespmem:$0x1F600] =	vst v63  }
0x5e: {  	s11 =	rddreg [dreg:$0x1f]  }
0x5f: {  	[spmem:s10] =	stream.linear.scatter [tilespmem:s13], [sflag:$0x7], $0x1000, $0x38;
	[tilespmem:$0x1F600] =	vst v63  }
0x60: {  	s12 =	sld [smem:$0x7F8]  }
0x61: {  	[spmem:s11] =	stream.linear.scatter [tilespmem:s13], [sflag:$0x7], $0x1000, $0x38;
	[tilespmem:$0x1F600] =	vst v63  }
0x62: {  	s16 =	sld [smem:$0x7F9]  }
0x63: {  	[spmem:s12] =	stream.linear.scatter [tilespmem:s13], [sflag:$0x7], $0x1000, $0x38;
	[tilespmem:$0x1F600] =	vst v63  }
0x64: {  	s18 =	sld [smem:$0x7FA]  }
0x65: {  	[spmem:s16] =	stream.linear.scatter [tilespmem:s13], [sflag:$0x7], $0x1000, $0x38;
	[tilespmem:$0x1F600] =	vst v63  }
0x66: {  	s23 =	sld [smem:$0x7FB]  }
0x67: {  	[spmem:s18] =	stream.linear.scatter [tilespmem:s13], [sflag:$0x7], $0x1000, $0x38;
	[tilespmem:$0x1F600] =	vst v63  }
0x68: {  	_ = 	snop  }
0x69: {  	[spmem:s23] =	stream.linear.scatter [tilespmem:s13], [sflag:$0x7], $0x200, $0x38;
	[tilespmem:$0x1F600] =	vst v63  }
0x6a: {  	_ =	swait.ge [sflag:s14], $0x1000  }
0x6b: {  	[sflag:s14] =	ssyncset.done $0x0  }
0x6c: {  	[sflag:s14] =	ssyncadd.s32 $0xFFFFF000  }
0x6d: {  	_ =	swait.ge [sflag:s14], $0x1000  }
0x6e: {  	[sflag:s14] =	ssyncset.done $0x0  }
0x6f: {  	[sflag:s14] =	ssyncadd.s32 $0xFFFFF000  }
0x70: {  	_ =	swait.ge [sflag:s14], $0x1000  }
0x71: {  	[sflag:s14] =	ssyncset.done $0x0  }
0x72: {  	[sflag:s14] =	ssyncadd.s32 $0xFFFFF000  }
0x73: {  	_ =	swait.ge [sflag:s14], $0x1000  }
0x74: {  	[sflag:s14] =	ssyncset.done $0x0  }
0x75: {  	[sflag:s14] =	ssyncadd.s32 $0xFFFFF000  }
0x76: {  	_ =	swait.ge [sflag:s14], $0x1000  }
0x77: {  	[sflag:s14] =	ssyncset.done $0x0  }
0x78: {  	[sflag:s14] =	ssyncadd.s32 $0xFFFFF000  }
0x79: {  	_ =	swait.ge [sflag:s14], $0x1000  }
0x7a: {  	[sflag:s14] =	ssyncset.done $0x0  }
0x7b: {  	[sflag:s14] =	ssyncadd.s32 $0xFFFFF000  }
0x7c: {  	_ =	swait.ge [sflag:s14], $0x1000  }
0x7d: {  	[sflag:s14] =	ssyncset.done $0x0  }
0x7e: {  	[sflag:s14] =	ssyncadd.s32 $0xFFFFF000  }
0x7f: {  	_ =	swait.ge [sflag:s14], $0x1000  }
0x80: {  	[sflag:s14] =	ssyncset.done $0x0  }
0x81: {  	[sflag:s14] =	ssyncadd.s32 $0xFFFFF000  }
0x82: {  	_ =	swait.ge [sflag:s14], $0x1000  }
0x83: {  	[sflag:s14] =	ssyncset.done $0x0  }
0x84: {  	[sflag:s14] =	ssyncadd.s32 $0xFFFFF000  }
0x85: {  	_ =	swait.ge [sflag:s14], $0x1000  }
0x86: {  	[sflag:s14] =	ssyncset.done $0x0  }
0x87: {  	[sflag:s14] =	ssyncadd.s32 $0xFFFFF000  }
0x88: {  	_ =	swait.ge [sflag:s14], $0x1000  }
0x89: {  	[sflag:s14] =	ssyncset.done $0x0  }
0x8a: {  	[sflag:s14] =	ssyncadd.s32 $0xFFFFF000  }
0x8b: {  	_ =	swait.ge [sflag:s14], $0x1000  }
0x8c: {  	[sflag:s14] =	ssyncset.done $0x0  }
0x8d: {  	[sflag:s14] =	ssyncadd.s32 $0xFFFFF000  }
0x8e: {  	_ =	swait.ge [sflag:s14], $0x1000  }
0x8f: {  	[sflag:s14] =	ssyncset.done $0x0  }
0x90: {  	[sflag:s14] =	ssyncadd.s32 $0xFFFFF000  }
0x91: {  	_ =	swait.ge [sflag:s14], $0x1000  }
0x92: {  	[sflag:s14] =	ssyncset.done $0x0  }
0x93: {  	[sflag:s14] =	ssyncadd.s32 $0xFFFFF000  }
0x94: {  	_ =	swait.ge [sflag:s14], $0x1000  }
0x95: {  	[sflag:s14] =	ssyncset.done $0x0  }
0x96: {  	[sflag:s14] =	ssyncadd.s32 $0xFFFFF000  }
0x97: {  	_ =	swait.ge [sflag:s14], $0x1000  }
0x98: {  	[sflag:s14] =	ssyncset.done $0x0  }
0x99: {  	[sflag:s14] =	ssyncadd.s32 $0xFFFFF000  }
0x9a: {  	_ =	swait.ge [sflag:s14], $0x1000  }
0x9b: {  	[sflag:s14] =	ssyncset.done $0x0  }
0x9c: {  	[sflag:s14] =	ssyncadd.s32 $0xFFFFF000  }
0x9d: {  	_ =	swait.ge [sflag:s14], $0x1000  }
0x9e: {  	[sflag:s14] =	ssyncset.done $0x0  }
0x9f: {  	[sflag:s14] =	ssyncadd.s32 $0xFFFFF000  }
0xa0: {  	_ =	swait.ge [sflag:s14], $0x1000  }
0xa1: {  	[sflag:s14] =	ssyncset.done $0x0  }
0xa2: {  	[sflag:s14] =	ssyncadd.s32 $0xFFFFF000  }
0xa3: {  	_ =	swait.ge [sflag:s14], $0x1000  }
0xa4: {  	[sflag:s14] =	ssyncset.done $0x0  }
0xa5: {  	[sflag:s14] =	ssyncadd.s32 $0xFFFFF000  }
0xa6: {  	_ =	swait.ge [sflag:s14], $0x1000  }
0xa7: {  	[sflag:s14] =	ssyncset.done $0x0  }
0xa8: {  	[sflag:s14] =	ssyncadd.s32 $0xFFFFF000  }
0xa9: {  	_ =	swait.ge [sflag:s14], $0x1000  }
0xaa: {  	[sflag:s14] =	ssyncset.done $0x0  }
0xab: {  	[sflag:s14] =	ssyncadd.s32 $0xFFFFF000  }
0xac: {  	_ =	swait.ge [sflag:s14], $0x1000  }
0xad: {  	[sflag:s14] =	ssyncset.done $0x0  }
0xae: {  	[sflag:s14] =	ssyncadd.s32 $0xFFFFF000  }
0xaf: {  	_ =	swait.ge [sflag:s14], $0x1000  }
0xb0: {  	[sflag:s14] =	ssyncset.done $0x0  }
0xb1: {  	[sflag:s14] =	ssyncadd.s32 $0xFFFFF000  }
0xb2: {  	_ =	swait.ge [sflag:s14], $0x1000  }
0xb3: {  	[sflag:s14] =	ssyncset.done $0x0  }
0xb4: {  	[sflag:s14] =	ssyncadd.s32 $0xFFFFF000  }
0xb5: {  	_ =	swait.ge [sflag:s14], $0x1000  }
0xb6: {  	[sflag:s14] =	ssyncset.done $0x0  }
0xb7: {  	[sflag:s14] =	ssyncadd.s32 $0xFFFFF000  }
0xb8: {  	_ =	swait.ge [sflag:s14], $0x200  }
0xb9: {  	[sflag:s14] =	ssyncset.done $0x0  }
0xba: {  	[sflag:s14] =	ssyncadd.s32 $0xFFFFFE00  }
0xbb: {  	[bflag:$0x0] =	sbarrier.arrive $0xFFFF  }
.LBB2_6:
0xbc: {  	s3 =	sshll.u32 s8, $0x1;
	s5 =	rddreg [dreg:$0x4]  }
0xbd: {  	s3 =	sor.u32 s5, s3  }
0xbe: {  	s9 =	simm.s32 $0x0;
	s5 =	simm.s32 $0x40;
	s3 =	smul.u32 $0x1A17B0, s3  }
.LBB2_7:
0xbf: {  	p1 =	sne.s32 s5, $0x3FC0;
	[tilespmem:s9+$0x1D200] =	vst v2;
	s9 =	smov.u32 s5;
	s5 =	sadd.s32 $0x40, s5  }
.Ltmp2:
0xc0: {  	(pc) =	sbr.rel @p1 .LBB2_7-.Ltmp2, $2  }
0xc1: {  	_ =	sdelay $0x2  }
0xc2: {  	s9 =	sshra.s32 s9, $0x2  }
0xc3: {  	[tilespmem:s9+$0x1D200] =	vst v2;
	s9 =	simm.s32 $0x0;
	s5 =	rddreg [dreg:$0x10]  }
0xc4: {  	v3 =	vmov s3;
	[tilespmem:s15], [sflag:$0x1] =	stream.linear.gather [hbm4b:s5+s9], $0x1000, $0x38;
	[tilespmem:$0x1F600] =	vst v63  }
.LBB2_9:
0xc5: {  	_ =	swait.ge [sflag:s25], $0x1000  }
0xc6: {  	[sflag:s25] =	ssyncset.done $0x0  }
0xc7: {  	s10 =	simm.s32 $0x0;
	[sflag:s25] =	ssyncadd.s32 $0xFFFFF000  }
0xc8: {  	v4 =	vld [tilespmem:s10+$0x1A200]  }
0xc9: {  	v9 =	vld [tilespmem:s10+$0x1A210]  }
0xca: {  	v8 =	vld [tilespmem:s10+$0x1A220]  }
0xcb: {  	v7 =	vld [tilespmem:s10+$0x1A230]  }
0xcc: {  	v6 =	vld [tilespmem:s10+$0x1A240]  }
0xcd: {  	v5 =	vld [tilespmem:s10+$0x1A250];
	v10 =	vsub.s32 v4, v3  }
0xce: {  	s3 =	simm.s32 $0x200;
	v9 =	vsub.s32 v9, v3;
	v4 =	vld [tilespmem:s10+$0x1A260];
	vm0 =	vlt.u32 v10, $0x1A17B0  }
.LBB2_10:
0xcf: {  	p1 =	sne.s32 s3, $0x3E00;
	v10 =	vsel vm0, v10, v0;
	vm0 =	vlt.u32 v9, $0x1A17B0;
	v8 =	vsub.s32 v8, v3;
	v11 =	vld [tilespmem:s10+$0x1A270]  }
0xd0: {  	s5 =	sshra.s32 s3, $0x2;
	[tilespmem:s10+$0x1A200] =	vst v10;
	v9 =	vsel vm0, v9, v0;
	vm0 =	vlt.u32 v8, $0x1A17B0;
	v7 =	vsub.s32 v7, v3  }
0xd1: {  	v10 =	vld [tilespmem:s5+$0x1A200];
	[tilespmem:s10+$0x1A210] =	vst v9;
	v8 =	vsel vm0, v8, v0;
	vm0 =	vlt.u32 v7, $0x1A17B0;
	v6 =	vsub.s32 v6, v3  }
0xd2: {  	v9 =	vld [tilespmem:s5+$0x1A210];
	[tilespmem:s10+$0x1A220] =	vst v8;
	v7 =	vsel vm0, v7, v0;
	vm0 =	vlt.u32 v6, $0x1A17B0;
	v5 =	vsub.s32 v5, v3  }
.Ltmp3:
0xd3: {  	v8 =	vld [tilespmem:s5+$0x1A220];
	[tilespmem:s10+$0x1A230] =	vst v7;
	v6 =	vsel vm0, v6, v0;
	vm0 =	vlt.u32 v5, $0x1A17B0;
	v4 =	vsub.s32 v4, v3;
	(pc) =	sbr.rel @p1 .LBB2_10-.Ltmp3, $4  }
0xd4: {  	v7 =	vld [tilespmem:s5+$0x1A230];
	[tilespmem:s10+$0x1A240] =	vst v6;
	v5 =	vsel vm0, v5, v0;
	vm0 =	vlt.u32 v4, $0x1A17B0;
	v11 =	vsub.s32 v11, v3  }
0xd5: {  	v6 =	vld [tilespmem:s5+$0x1A240];
	[tilespmem:s10+$0x1A250] =	vst v5;
	v4 =	vsel vm0, v4, v0;
	vm0 =	vlt.u32 v11, $0x1A17B0  }
0xd6: {  	v10 =	vsub.s32 v10, v3;
	v5 =	vld [tilespmem:s5+$0x1A250];
	[tilespmem:s10+$0x1A260] =	vst v4;
	v11 =	vsel vm0, v11, v0  }
0xd7: {  	s3 =	sadd.s32 $0x200, s3;
	vm0 =	vlt.u32 v10, $0x1A17B0;
	v9 =	vsub.s32 v9, v3;
	v4 =	vld [tilespmem:s5+$0x1A260];
	[tilespmem:s10+$0x1A270] =	vst v11;
	s10 =	smov.u32 s5  }
0xd8: {  	v10 =	vsel vm0, v10, v0;
	vm0 =	vlt.u32 v9, $0x1A17B0;
	v8 =	vsub.s32 v8, v3;
	v11 =	vld [tilespmem:s10+$0x1A270]  }
0xd9: {  	[tilespmem:s10+$0x1A200] =	vst v10;
	v9 =	vsel vm0, v9, v0;
	vm0 =	vlt.u32 v8, $0x1A17B0;
	v7 =	vsub.s32 v7, v3  }
0xda: {  	[tilespmem:s10+$0x1A210] =	vst v9;
	v8 =	vsel vm0, v8, v0;
	vm0 =	vlt.u32 v7, $0x1A17B0;
	v6 =	vsub.s32 v6, v3  }
0xdb: {  	[tilespmem:s10+$0x1A220] =	vst v8;
	v7 =	vsel vm0, v7, v0;
	vm0 =	vlt.u32 v6, $0x1A17B0;
	v5 =	vsub.s32 v5, v3  }
0xdc: {  	[tilespmem:s10+$0x1A230] =	vst v7;
	v6 =	vsel vm0, v6, v0;
	vm0 =	vlt.u32 v5, $0x1A17B0;
	v4 =	vsub.s32 v4, v3  }
0xdd: {  	[tilespmem:s10+$0x1A240] =	vst v6;
	v5 =	vsel vm0, v5, v0;
	vm0 =	vlt.u32 v4, $0x1A17B0;
	v6 =	vsub.s32 v11, v3  }
0xde: {  	[tilespmem:s10+$0x1A250] =	vst v5;
	v4 =	vsel vm0, v4, v0;
	vm0 =	vlt.u32 v6, $0x1A17B0  }
0xdf: {  	p1 =	seq.s32 s9, $0x0;
	[tilespmem:s10+$0x1A260] =	vst v4;
	v4 =	vsel vm0, v6, v0  }
0xe0: {  	s3 =	simm.s32 @!p1 $0x5;
	[tilespmem:s10+$0x1A270] =	vst v4;
	s10 =	smul.u32 $0x3000, s9  }
0xe1: {  	[spmem:s1] =	stream.indirect.scatter.add.f32 [tilespmem:s13], [sflag:$0x4], $0x1, s15, s26, $0xb8;
	[tilespmem:$0x1F600] =	vst v63  }
0xe2: {  	_ =	swait.ge @!p1 [sflag:s3], $0x1000;
	s5 =	sadd.s32 s10, s17  }
0xe3: {  	[sflag:s3] =	ssyncset.done @!p1 $0x0;
	s5 =	sshrl.u32 s5, $0x3  }
0xe4: {  	s23 =	simm.s32 $0x0;
	[sflag:s3] =	ssyncadd.s32 @!p1 $0xFFFFF000;
	s18 =	sadd.s32 s4, s5  }
0xe5: {  	[tilespmem:s28], [sflag:$0x2] =	stream.linear.gather [hbm4b:s18+s23], $0x1000, $0x38;
	[tilespmem:$0x1F600] =	vst v63  }
0xe6: {  	_ =	swait.ge [sflag:s29], $0x1000  }
0xe7: {  	[sflag:s29] =	ssyncset.done $0x0  }
0xe8: {  	s11 =	simm.s32 $0x0;
	[sflag:s29] =	ssyncadd.s32 $0xFFFFF000  }
0xe9: {  	v4 =	vld [tilespmem:s11+$0x1B200]  }
0xea: {  	v9 =	vld [tilespmem:s11+$0x1B210]  }
0xeb: {  	v8 =	vld [tilespmem:s11+$0x1B220]  }
0xec: {  	v7 =	vld [tilespmem:s11+$0x1B230]  }
0xed: {  	v6 =	vld [tilespmem:s11+$0x1B240]  }
0xee: {  	v5 =	vld [tilespmem:s11+$0x1B250];
	v10 =	vsub.s32 v4, v3  }
0xef: {  	s3 =	simm.s32 $0x200;
	v9 =	vsub.s32 v9, v3;
	v4 =	vld [tilespmem:s11+$0x1B260];
	vm0 =	vlt.u32 v10, $0x1A17B0  }
.LBB2_12:
0xf0: {  	p2 =	sne.s32 s3, $0x3E00;
	v10 =	vsel vm0, v10, v0;
	vm0 =	vlt.u32 v9, $0x1A17B0;
	v8 =	vsub.s32 v8, v3;
	v11 =	vld [tilespmem:s11+$0x1B270]  }
0xf1: {  	s5 =	sshra.s32 s3, $0x2;
	[tilespmem:s11+$0x1B200] =	vst v10;
	v9 =	vsel vm0, v9, v0;
	vm0 =	vlt.u32 v8, $0x1A17B0;
	v7 =	vsub.s32 v7, v3  }
0xf2: {  	v10 =	vld [tilespmem:s5+$0x1B200];
	[tilespmem:s11+$0x1B210] =	vst v9;
	v8 =	vsel vm0, v8, v0;
	vm0 =	vlt.u32 v7, $0x1A17B0;
	v6 =	vsub.s32 v6, v3  }
0xf3: {  	v9 =	vld [tilespmem:s5+$0x1B210];
	[tilespmem:s11+$0x1B220] =	vst v8;
	v7 =	vsel vm0, v7, v0;
	vm0 =	vlt.u32 v6, $0x1A17B0;
	v5 =	vsub.s32 v5, v3  }
.Ltmp4:
0xf4: {  	v8 =	vld [tilespmem:s5+$0x1B220];
	[tilespmem:s11+$0x1B230] =	vst v7;
	v6 =	vsel vm0, v6, v0;
	vm0 =	vlt.u32 v5, $0x1A17B0;
	v4 =	vsub.s32 v4, v3;
	(pc) =	sbr.rel @p2 .LBB2_12-.Ltmp4, $4  }
0xf5: {  	v7 =	vld [tilespmem:s5+$0x1B230];
	[tilespmem:s11+$0x1B240] =	vst v6;
	v5 =	vsel vm0, v5, v0;
	vm0 =	vlt.u32 v4, $0x1A17B0;
	v11 =	vsub.s32 v11, v3  }
0xf6: {  	v6 =	vld [tilespmem:s5+$0x1B240];
	[tilespmem:s11+$0x1B250] =	vst v5;
	v4 =	vsel vm0, v4, v0;
	vm0 =	vlt.u32 v11, $0x1A17B0  }
0xf7: {  	v10 =	vsub.s32 v10, v3;
	v5 =	vld [tilespmem:s5+$0x1B250];
	[tilespmem:s11+$0x1B260] =	vst v4;
	v11 =	vsel vm0, v11, v0  }
0xf8: {  	s3 =	sadd.s32 $0x200, s3;
	vm0 =	vlt.u32 v10, $0x1A17B0;
	v9 =	vsub.s32 v9, v3;
	v4 =	vld [tilespmem:s5+$0x1B260];
	[tilespmem:s11+$0x1B270] =	vst v11;
	s11 =	smov.u32 s5  }
0xf9: {  	v10 =	vsel vm0, v10, v0;
	vm0 =	vlt.u32 v9, $0x1A17B0;
	v8 =	vsub.s32 v8, v3;
	v11 =	vld [tilespmem:s11+$0x1B270]  }
0xfa: {  	[tilespmem:s11+$0x1B200] =	vst v10;
	v9 =	vsel vm0, v9, v0;
	vm0 =	vlt.u32 v8, $0x1A17B0;
	v7 =	vsub.s32 v7, v3  }
0xfb: {  	[tilespmem:s11+$0x1B210] =	vst v9;
	v8 =	vsel vm0, v8, v0;
	vm0 =	vlt.u32 v7, $0x1A17B0;
	v6 =	vsub.s32 v6, v3  }
0xfc: {  	[tilespmem:s11+$0x1B220] =	vst v8;
	v7 =	vsel vm0, v7, v0;
	vm0 =	vlt.u32 v6, $0x1A17B0;
	v5 =	vsub.s32 v5, v3  }
0xfd: {  	[tilespmem:s11+$0x1B230] =	vst v7;
	v6 =	vsel vm0, v6, v0;
	vm0 =	vlt.u32 v5, $0x1A17B0;
	v4 =	vsub.s32 v4, v3  }
0xfe: {  	[tilespmem:s11+$0x1B240] =	vst v6;
	v5 =	vsel vm0, v5, v0;
	vm0 =	vlt.u32 v4, $0x1A17B0;
	v6 =	vsub.s32 v11, v3  }
0xff: {  	[tilespmem:s11+$0x1B250] =	vst v5;
	v4 =	vsel vm0, v4, v0;
	vm0 =	vlt.u32 v6, $0x1A17B0  }
0x100: {  	[tilespmem:s11+$0x1B260] =	vst v4;
	v4 =	vsel vm0, v6, v0  }
0x101: {  	s3 =	simm.s32 @!p1 $0x6;
	[tilespmem:s11+$0x1B270] =	vst v4  }
0x102: {  	[spmem:s1] =	stream.indirect.scatter.add.f32 [tilespmem:s13], [sflag:$0x5], $0x1, s28, s26, $0xb8;
	[tilespmem:$0x1F600] =	vst v63  }
0x103: {  	s5 =	sadd.s32 s10, s20;
	_ =	swait.ge @!p1 [sflag:s3], $0x1000  }
0x104: {  	s5 =	sshrl.u32 s5, $0x3;
	[sflag:s3] =	ssyncset.done @!p1 $0x0  }
0x105: {  	s23 =	simm.s32 $0x0;
	s18 =	sadd.s32 s4, s5;
	[sflag:s3] =	ssyncadd.s32 @!p1 $0xFFFFF000  }
0x106: {  	[tilespmem:s30], [sflag:$0x3] =	stream.linear.gather [hbm4b:s18+s23], $0x1000, $0x38;
	[tilespmem:$0x1F600] =	vst v63  }
0x107: {  	_ =	swait.ge [sflag:s31], $0x1000  }
0x108: {  	[sflag:s31] =	ssyncset.done $0x0  }
0x109: {  	s11 =	simm.s32 $0x0;
	[sflag:s31] =	ssyncadd.s32 $0xFFFFF000  }
0x10a: {  	v4 =	vld [tilespmem:s11+$0x1C200]  }
0x10b: {  	v9 =	vld [tilespmem:s11+$0x1C210]  }
0x10c: {  	v8 =	vld [tilespmem:s11+$0x1C220]  }
0x10d: {  	v7 =	vld [tilespmem:s11+$0x1C230]  }
0x10e: {  	v6 =	vld [tilespmem:s11+$0x1C240]  }
0x10f: {  	v5 =	vld [tilespmem:s11+$0x1C250];
	v10 =	vsub.s32 v4, v3  }
0x110: {  	s3 =	simm.s32 $0x200;
	v9 =	vsub.s32 v9, v3;
	v4 =	vld [tilespmem:s11+$0x1C260];
	vm0 =	vlt.u32 v10, $0x1A17B0  }
.LBB2_14:
0x111: {  	p1 =	sne.s32 s3, $0x3E00;
	v10 =	vsel vm0, v10, v0;
	vm0 =	vlt.u32 v9, $0x1A17B0;
	v8 =	vsub.s32 v8, v3;
	v11 =	vld [tilespmem:s11+$0x1C270]  }
0x112: {  	s5 =	sshra.s32 s3, $0x2;
	[tilespmem:s11+$0x1C200] =	vst v10;
	v9 =	vsel vm0, v9, v0;
	vm0 =	vlt.u32 v8, $0x1A17B0;
	v7 =	vsub.s32 v7, v3  }
0x113: {  	v10 =	vld [tilespmem:s5+$0x1C200];
	[tilespmem:s11+$0x1C210] =	vst v9;
	v8 =	vsel vm0, v8, v0;
	vm0 =	vlt.u32 v7, $0x1A17B0;
	v6 =	vsub.s32 v6, v3  }
0x114: {  	v9 =	vld [tilespmem:s5+$0x1C210];
	[tilespmem:s11+$0x1C220] =	vst v8;
	v7 =	vsel vm0, v7, v0;
	vm0 =	vlt.u32 v6, $0x1A17B0;
	v5 =	vsub.s32 v5, v3  }
.Ltmp5:
0x115: {  	v8 =	vld [tilespmem:s5+$0x1C220];
	[tilespmem:s11+$0x1C230] =	vst v7;
	v6 =	vsel vm0, v6, v0;
	vm0 =	vlt.u32 v5, $0x1A17B0;
	v4 =	vsub.s32 v4, v3;
	(pc) =	sbr.rel @p1 .LBB2_14-.Ltmp5, $4  }
0x116: {  	v7 =	vld [tilespmem:s5+$0x1C230];
	[tilespmem:s11+$0x1C240] =	vst v6;
	v5 =	vsel vm0, v5, v0;
	vm0 =	vlt.u32 v4, $0x1A17B0;
	v11 =	vsub.s32 v11, v3  }
0x117: {  	v6 =	vld [tilespmem:s5+$0x1C240];
	[tilespmem:s11+$0x1C250] =	vst v5;
	v4 =	vsel vm0, v4, v0;
	vm0 =	vlt.u32 v11, $0x1A17B0  }
0x118: {  	v10 =	vsub.s32 v10, v3;
	v5 =	vld [tilespmem:s5+$0x1C250];
	[tilespmem:s11+$0x1C260] =	vst v4;
	v11 =	vsel vm0, v11, v0  }
0x119: {  	s3 =	sadd.s32 $0x200, s3;
	vm0 =	vlt.u32 v10, $0x1A17B0;
	v9 =	vsub.s32 v9, v3;
	v4 =	vld [tilespmem:s5+$0x1C260];
	[tilespmem:s11+$0x1C270] =	vst v11;
	s11 =	smov.u32 s5  }
0x11a: {  	v10 =	vsel vm0, v10, v0;
	vm9 =	vlt.u32 v9, $0x1A17B0;
	v8 =	vsub.s32 v8, v3;
	v11 =	vld [tilespmem:s11+$0x1C270]  }
0x11b: {  	[tilespmem:s11+$0x1C200] =	vst v10;
	v9 =	vsel vm9, v9, v0;
	vm10 =	vlt.u32 v8, $0x1A17B0;
	v7 =	vsub.s32 v7, v3  }
0x11c: {  	[tilespmem:s11+$0x1C210] =	vst v9;
	v8 =	vsel vm10, v8, v0;
	vm11 =	vlt.u32 v7, $0x1A17B0;
	v6 =	vsub.s32 v6, v3  }
0x11d: {  	[tilespmem:s11+$0x1C220] =	vst v8;
	v7 =	vsel vm11, v7, v0;
	vm12 =	vlt.u32 v6, $0x1A17B0;
	v5 =	vsub.s32 v5, v3  }
0x11e: {  	[tilespmem:s11+$0x1C230] =	vst v7;
	v6 =	vsel vm12, v6, v0;
	vm13 =	vlt.u32 v5, $0x1A17B0;
	v4 =	vsub.s32 v4, v3  }
0x11f: {  	[tilespmem:s11+$0x1C240] =	vst v6;
	v5 =	vsel vm13, v5, v0;
	vm14 =	vlt.u32 v4, $0x1A17B0;
	v63 =	vsub.s32 v11, v3  }
0x120: {  	[tilespmem:s11+$0x1C250] =	vst v5;
	v4 =	vsel vm14, v4, v0;
	vm15 =	vlt.u32 v63, $0x1A17B0  }
0x121: {  	p1 =	seq.s32 s9, $0x19;
	[tilespmem:s11+$0x1C260] =	vst v4;
	v4 =	vsel vm15, v63, v0  }
.Ltmp6:
0x122: {  	[tilespmem:s11+$0x1C270] =	vst v4;
	(pc) =	sbr.rel @p1 .LBB2_17-.Ltmp6, $4  }
0x123: {  	[spmem:s1] =	stream.indirect.scatter.add.f32 [tilespmem:s13], [sflag:$0x6], $0x1, s30, s26, $0xb8;
	[tilespmem:$0x1F600] =	vst v63  }
0x124: {  	_ =	swait.ge [sflag:s0], $0x1000  }
0x125: {  	[sflag:s0] =	ssyncset.done $0x0  }
0x126: {  	[sflag:s0] =	ssyncadd.s32 $0xFFFFF000  }
.Ltmp7:
0x127: {  	(pc) =	sbr.rel .LBB2_9-.Ltmp7, $4  }
0x128: {  	s3 =	sadd.s32 s10, s21  }
0x129: {  	s3 =	sshrl.u32 s3, $0x3  }
0x12a: {  	s9 =	sadd.s32 $0x1, s9;
	s3 =	sadd.s32 s4, s3  }
0x12b: {  	[tilespmem:s15], [sflag:$0x1] =	stream.linear.gather [hbm4b:s3+s2], $0x1000, $0x38;
	[tilespmem:$0x1F600] =	vst v63  }
.LBB2_17:
0x12c: {  	s3 =	simm.s32 $0x5  }
0x12d: {  	_ =	swait.ge [sflag:s3], $0x1000  }
0x12e: {  	[sflag:s3] =	ssyncset.done $0x0  }
0x12f: {  	s23 =	simm.s32 $0x6;
	[sflag:s3] =	ssyncadd.s32 $0xFFFFF000  }
0x130: {  	_ =	swait.ge [sflag:s23], $0x1000  }
0x131: {  	[sflag:s23] =	ssyncset.done $0x0  }
0x132: {  	[sflag:s23] =	ssyncadd.s32 $0xFFFFF000  }
0x133: {  	s5 =	simm.s32 $0x0;
	s3 =	simm.s32 $0x40;
	[bflag:$0x0] =	sbarrier.arrive $0xFFFF  }
.LBB2_18:
0x134: {  	p1 =	sne.s32 s3, $0x3FC0;
	[tilespmem:s5+$0x1D200] =	vst v1;
	s5 =	smov.u32 s3;
	s3 =	sadd.s32 $0x40, s3  }
.Ltmp8:
0x135: {  	(pc) =	sbr.rel @p1 .LBB2_18-.Ltmp8, $2  }
0x136: {  	_ =	sdelay $0x2  }
0x137: {  	s5 =	sshra.s32 s5, $0x2  }
0x138: {  	s3 =	sadd.s32 s22, s19;
	p1 =	sgt.u32 s22, $0xAA  }
0x139: {  	p2 =	sgt.u32 @!p1 s3, $0x3FF  }
0x13a: {  	[smem:$0x7F4] =	sst s8;
	p2 =	por p2, p1  }
0x13b: {  	[tilespmem:s5+$0x1D200] =	vst v1;
	s9 =	sadd.s32 @!p2 $0x0, s24;
	s3 =	simm.s32 @!p2 $0x1E200;
	s11 =	simm.s32 @!p2 $0x8  }
0x13c: {  	[tilespmem:s3], [sflag:$0x8] =	stream.linear.gather @!p2 [spmem:s9], $0x1388, $0x38;
	[tilespmem:$0x1F600] =	vst v63  }
0x13d: {  	_ =	swait.ge @!p2 [sflag:s11], $0x1388  }
0x13e: {  	p1 =	por p2, p2;
	[sflag:s11] =	ssyncset.done @!p2 $0x0  }
0x13f: {  	s5 =	simm.s32 @!p1 $0x0;
	[sflag:s11] =	ssyncadd.s32 @!p1 $0xFFFFEC78  }
0x140: {  	[hbm4b:s7+s5] =	stream.linear.scatter @!p1 [tilespmem:s3], [sflag:$0x8], $0x1388, $0x38;
	[tilespmem:$0x1F600] =	vst v63  }
0x141: {  	_ =	swait.ge @!p1 [sflag:s11], $0x1388  }
0x142: {  	[sflag:s11] =	ssyncset.done @!p1 $0x0  }
0x143: {  	s10 =	sadd.s32 @!p2 $0x1388, s9;
	[sflag:s11] =	ssyncadd.s32 @!p1 $0xFFFFEC78  }
0x144: {  	[tilespmem:s3], [sflag:$0x8] =	stream.linear.gather @!p1 [spmem:s10], $0x1388, $0x38;
	[tilespmem:$0x1F600] =	vst v63  }
0x145: {  	_ =	swait.ge @!p1 [sflag:s11], $0x1388  }
0x146: {  	[sflag:s11] =	ssyncset.done @!p1 $0x0  }
0x147: {  	s12 =	sadd.s32 @!p2 $0x1000, s9;
	[sflag:s11] =	ssyncadd.s32 @!p1 $0xFFFFEC78  }
0x148: {  	[hbm4b:s6+s5] =	stream.linear.scatter @!p1 [tilespmem:s3], [sflag:$0x8], $0x1388, $0x38;
	[tilespmem:$0x1F600] =	vst v63  }
0x149: {  	s23 =	simm.s32 @!p1 $0x1D200;
	s16 =	sadd.s32 @!p2 $0x2000, s9;
	_ =	swait.ge @!p1 [sflag:s11], $0x1388  }
0x14a: {  	s10 =	simm.s32 $0x9C40;
	s5 =	simm.s32 $0x13880;
	[sflag:s11] =	ssyncset.done @!p1 $0x0  }
0x14b: {  	s3 =	sadd.s32 $0x1, s22;
	[smem:$0x7F5] =	sst s7;
	[sflag:s11] =	ssyncadd.s32 @!p1 $0xFFFFEC78  }
0x14c: {  	[spmem:s9] =	stream.linear.scatter @!p1 [tilespmem:s23], [sflag:$0x7], $0x1000, $0x38;
	[tilespmem:$0x1F600] =	vst v63  }
0x14d: {  	p3 =	sgt.u32 s3, $0xAA;
	[smem:$0x7F6] =	sst s6;
	s9 =	sadd.s32 s3, s19  }
0x14e: {  	s11 =	sadd.s32 $0x4E2, s7;
	p4 =	sgt.u32 @!p3 s9, $0x3FF;
	s9 =	sadd.s32 $0x4E2, s6  }
.LBB2_20:
0x14f: {  	[spmem:s12] =	stream.linear.scatter @!p1 [tilespmem:s23], [sflag:$0x7], $0x1000, $0x38;
	[tilespmem:$0x1F600] =	vst v63  }
0x150: {  	p3 =	por p4, p3;
	s12 =	smov.u32 s5;
	s5 =	sadd.s32 $0x9C40, s5  }
0x151: {  	p2 =	sne.s32 s5, $0x6B6C0;
	s18 =	sshra.s32 @!p3 s10, $0x2;
	s10 =	smov.u32 s12  }
0x152: {  	[spmem:s16] =	stream.linear.scatter @!p1 [tilespmem:s23], [sflag:$0x7], $0x710, $0x38;
	[tilespmem:$0x1F600] =	vst v63  }
0x153: {  	s6 =	simm.s32 @!p3 $0x8;
	s18 =	sadd.s32 @!p3 s18, s24;
	s23 =	simm.s32 @!p3 $0x1E200  }
0x154: {  	[tilespmem:s23], [sflag:$0x8] =	stream.linear.gather @!p3 [spmem:s18], $0x1388, $0x38;
	[tilespmem:$0x1F600] =	vst v63  }
0x155: {  	s7 =	sadd.s32 @!p3 $0x1388, s18;
	s12 =	sadd.s32 @!p3 $0x1000, s18;
	_ =	swait.ge @!p3 [sflag:s6], $0x1388  }
0x156: {  	s16 =	sadd.s32 @!p3 $0x2000, s18;
	p1 =	por p3, p3;
	[sflag:s6] =	ssyncset.done @!p3 $0x0  }
0x157: {  	s8 =	simm.s32 @!p1 $0x0;
	[sflag:s6] =	ssyncadd.s32 @!p1 $0xFFFFEC78  }
0x158: {  	[hbm4b:s11+s8] =	stream.linear.scatter @!p1 [tilespmem:s23], [sflag:$0x8], $0x1388, $0x38;
	[tilespmem:$0x1F600] =	vst v63  }
0x159: {  	_ =	swait.ge @!p1 [sflag:s6], $0x1388  }
0x15a: {  	[sflag:s6] =	ssyncset.done @!p1 $0x0  }
0x15b: {  	[sflag:s6] =	ssyncadd.s32 @!p1 $0xFFFFEC78  }
0x15c: {  	[tilespmem:s23], [sflag:$0x8] =	stream.linear.gather @!p1 [spmem:s7], $0x1388, $0x38;
	[tilespmem:$0x1F600] =	vst v63  }
0x15d: {  	_ =	swait.ge @!p1 [sflag:s6], $0x1388  }
0x15e: {  	[sflag:s6] =	ssyncset.done @!p1 $0x0  }
0x15f: {  	[sflag:s6] =	ssyncadd.s32 @!p1 $0xFFFFEC78  }
0x160: {  	[hbm4b:s9+s8] =	stream.linear.scatter @!p1 [tilespmem:s23], [sflag:$0x8], $0x1388, $0x38;
	[tilespmem:$0x1F600] =	vst v63  }
.Ltmp9:
0x161: {  	s3 =	sadd.s32 $0x1, s3;
	_ =	swait.ge @!p1 [sflag:s6], $0x1388;
	(pc) =	sbr.rel @p2 .LBB2_20-.Ltmp9, $4  }
0x162: {  	s7 =	sadd.s32 s3, s19;
	[sflag:s6] =	ssyncset.done @!p1 $0x0  }
0x163: {  	p3 =	sgt.u32 s3, $0xAA;
	s23 =	simm.s32 @!p1 $0x1D200;
	[sflag:s6] =	ssyncadd.s32 @!p1 $0xFFFFEC78  }
0x164: {  	[spmem:s18] =	stream.linear.scatter @!p1 [tilespmem:s23], [sflag:$0x7], $0x1000, $0x38;
	[tilespmem:$0x1F600] =	vst v63  }
0x165: {  	s11 =	sadd.s32 $0x4E2, s11;
	p4 =	sgt.u32 @!p3 s7, $0x3FF;
	s9 =	sadd.s32 $0x4E2, s9  }
0x166: {  	[spmem:s12] =	stream.linear.scatter @!p1 [tilespmem:s23], [sflag:$0x7], $0x1000, $0x38;
	[tilespmem:$0x1F600] =	vst v63  }
0x167: {  	p2 =	por p4, p3  }
0x168: {  	s3 =	sshra.s32 @!p2 s10, $0x2  }
0x169: {  	[spmem:s16] =	stream.linear.scatter @!p1 [tilespmem:s23], [sflag:$0x7], $0x710, $0x38;
	[tilespmem:$0x1F600] =	vst v63  }
0x16a: {  	s5 =	simm.s32 @!p2 $0x1E200;
	s6 =	simm.s32 @!p2 $0x8;
	s3 =	sadd.s32 @!p2 s3, s24  }
0x16b: {  	[tilespmem:s5], [sflag:$0x8] =	stream.linear.gather @!p2 [spmem:s3], $0x1388, $0x38;
	[tilespmem:$0x1F600] =	vst v63  }
0x16c: {  	_ =	swait.ge @!p2 [sflag:s6], $0x1388  }
0x16d: {  	p1 =	por p2, p2;
	[sflag:s6] =	ssyncset.done @!p2 $0x0  }
0x16e: {  	s7 =	simm.s32 @!p1 $0x0;
	[sflag:s6] =	ssyncadd.s32 @!p1 $0xFFFFEC78  }
0x16f: {  	[hbm4b:s11+s7] =	stream.linear.scatter @!p1 [tilespmem:s5], [sflag:$0x8], $0x1388, $0x38;
	[tilespmem:$0x1F600] =	vst v63  }
0x170: {  	_ =	swait.ge @!p1 [sflag:s6], $0x1388  }
0x171: {  	[sflag:s6] =	ssyncset.done @!p1 $0x0  }
0x172: {  	s8 =	sadd.s32 @!p2 $0x1388, s3;
	[sflag:s6] =	ssyncadd.s32 @!p1 $0xFFFFEC78  }
0x173: {  	[tilespmem:s5], [sflag:$0x8] =	stream.linear.gather @!p1 [spmem:s8], $0x1388, $0x38;
	[tilespmem:$0x1F600] =	vst v63  }
0x174: {  	_ =	swait.ge @!p1 [sflag:s6], $0x1388  }
0x175: {  	[sflag:s6] =	ssyncset.done @!p1 $0x0  }
0x176: {  	[sflag:s6] =	ssyncadd.s32 @!p1 $0xFFFFEC78  }
0x177: {  	[hbm4b:s9+s7] =	stream.linear.scatter @!p1 [tilespmem:s5], [sflag:$0x8], $0x1388, $0x38;
	[tilespmem:$0x1F600] =	vst v63  }
0x178: {  	_ =	swait.ge @!p1 [sflag:s6], $0x1388  }
0x179: {  	[sflag:s6] =	ssyncset.done @!p1 $0x0  }
0x17a: {  	s5 =	simm.s32 @!p1 $0x1D200;
	[sflag:s6] =	ssyncadd.s32 @!p1 $0xFFFFEC78  }
0x17b: {  	[spmem:s3] =	stream.linear.scatter @!p1 [tilespmem:s5], [sflag:$0x7], $0x1000, $0x38;
	[tilespmem:$0x1F600] =	vst v63  }
0x17c: {  	s6 =	sadd.s32 @!p2 $0x1000, s3  }
0x17d: {  	[spmem:s6] =	stream.linear.scatter @!p1 [tilespmem:s5], [sflag:$0x7], $0x1000, $0x38;
	[tilespmem:$0x1F600] =	vst v63  }
0x17e: {  	s3 =	sadd.s32 @!p2 $0x2000, s3  }
0x17f: {  	[spmem:s3] =	stream.linear.scatter @!p1 [tilespmem:s5], [sflag:$0x7], $0x710, $0x38;
	[tilespmem:$0x1F600] =	vst v63  }
0x180: {  	s18 =	sadd.s32 $0x0, s22;
	s3 =	sadd.s32 s19, s22  }
0x181: {  	p1 =	sgt.u32 s18, $0xAA;
	s6 =	sadd.s32 $0x0, s3  }
0x182: {  	p2 =	sgt.u32 @!p1 s6, $0x3FF  }
0x183: {  	p1 =	por p2, p1  }
0x184: {  	s5 =	simm.s32 @!p1 $0x7;
	p1 =	por p1, p1  }
0x185: {  	_ =	swait.ge @!p1 [sflag:s5], $0x1000  }
0x186: {  	[sflag:s5] =	ssyncset.done @!p1 $0x0  }
0x187: {  	[sflag:s5] =	ssyncadd.s32 @!p1 $0xFFFFF000  }
0x188: {  	_ =	swait.ge @!p1 [sflag:s5], $0x1000  }
0x189: {  	s23 =	sadd.s32 $0x1, s22;
	[sflag:s5] =	ssyncset.done @!p1 $0x0  }
0x18a: {  	s7 =	sadd.s32 $0x1, s3;
	p2 =	sgt.u32 s23, $0xAA;
	[sflag:s5] =	ssyncadd.s32 @!p1 $0xFFFFF000  }
0x18b: {  	p3 =	sgt.u32 @!p2 s7, $0x3FF;
	_ =	swait.ge @!p1 [sflag:s5], $0x710  }
0x18c: {  	s9 =	simm.s32 $0x2;
	p3 =	por p3, p2;
	[sflag:s5] =	ssyncset.done @!p1 $0x0  }
.LBB2_22:
0x18d: {  	[sflag:s5] =	ssyncadd.s32 @!p1 $0xFFFFF8F0;
	s5 =	simm.s32 @!p3 $0x7  }
0x18e: {  	s6 =	smov.u32 s9;
	s9 =	sadd.s32 $0x1, s9;
	p1 =	por p3, p3  }
0x18f: {  	p2 =	sne.s32 s9, $0xB;
	_ =	swait.ge @!p1 [sflag:s5], $0x1000  }
0x190: {  	[sflag:s5] =	ssyncset.done @!p1 $0x0  }
0x191: {  	[sflag:s5] =	ssyncadd.s32 @!p1 $0xFFFFF000  }
.Ltmp10:
0x192: {  	_ =	swait.ge @!p1 [sflag:s5], $0x1000;
	(pc) =	sbr.rel @p2 .LBB2_22-.Ltmp10, $4  }
0x193: {  	s7 =	sadd.s32 s6, s22;
	[sflag:s5] =	ssyncset.done @!p1 $0x0  }
0x194: {  	s6 =	sadd.s32 s6, s3;
	p3 =	sgt.u32 s7, $0xAA;
	[sflag:s5] =	ssyncadd.s32 @!p1 $0xFFFFF000  }
0x195: {  	p4 =	sgt.u32 @!p3 s6, $0x3FF;
	_ =	swait.ge @!p1 [sflag:s5], $0x710  }
0x196: {  	p3 =	por p4, p3;
	[sflag:s5] =	ssyncset.done @!p1 $0x0  }
0x197: {  	s3 =	simm.s32 @!p3 $0x7;
	[sflag:s5] =	ssyncadd.s32 @!p1 $0xFFFFF8F0;
	p1 =	por p3, p3  }
0x198: {  	_ =	swait.ge @!p1 [sflag:s3], $0x1000  }
0x199: {  	[sflag:s3] =	ssyncset.done @!p1 $0x0  }
0x19a: {  	[sflag:s3] =	ssyncadd.s32 @!p1 $0xFFFFF000  }
0x19b: {  	_ =	swait.ge @!p1 [sflag:s3], $0x1000  }
0x19c: {  	[sflag:s3] =	ssyncset.done @!p1 $0x0  }
0x19d: {  	[sflag:s3] =	ssyncadd.s32 @!p1 $0xFFFFF000  }
0x19e: {  	_ =	swait.ge @!p1 [sflag:s3], $0x710  }
0x19f: {  	s5 =	sld [smem:$0x7FC]  }
0x1a0: {  	[sflag:s3] =	ssyncset.done @!p1 $0x0  }
0x1a1: {  	[sflag:s3] =	ssyncadd.s32 @!p1 $0xFFFFF8F0;
	s3 =	simm.s32 @!p0 $0x1D200  }
0x1a2: {  	[spmem:s5] =	stream.linear.scatter @!p0 [tilespmem:s3], [sflag:$0x8], $0x850, $0x38;
	[tilespmem:$0x1F600] =	vst v63  }
0x1a3: {  	s3 =	simm.s32 @!p0 $0x8  }
0x1a4: {  	_ =	swait.ge @!p0 [sflag:s3], $0x850  }
0x1a5: {  	s8 =	sld [smem:$0x7F4];
	_ =	sdelay $0x1  }
0x1a6: {  	[sflag:s3] =	ssyncset.done @!p0 $0x0  }
0x1a7: {  	[sflag:s3] =	ssyncadd.s32 @!p0 $0xFFFFF7B0;
	s8 =	sadd.s32 $0x1, s8  }
0x1a8: {  	[bflag:$0x0] =	sbarrier.arrive $0xFFFF;
	p1 =	sne.s32 s8, $0x3  }
.Ltmp11:
0x1a9: {  	s7 =	sld [smem:$0x7F5];
	(pc) =	sbr.rel @p1 .LBB2_2-.Ltmp11, $2  }
0x1aa: {  	s6 =	sld [smem:$0x7F6];
	_ =	sdelay $0x2  }
0x1ab: {  	s19 =	sadd.s32 $0x156, s19;
	s7 =	sadd.s32 $0x685EC, s7;
	s6 =	sadd.s32 $0x685EC, s6  }
0x1ac: {  	s5 =	sld [smem:$0x7F7];
	_ =	sdelay $0x2  }
0x1ad: {  	s3 =	rddreg [dreg:$0x13];
	s5 =	sadd.s32 $0x1, s5  }
0x1ae: {  	p1 =	sne.s32 s5, s3  }
.Ltmp12:
0x1af: {  	_ = 	snop;
	(pc) =	sbr.rel @p1 .LBB2_1-.Ltmp12, $1  }
0x1b0: {  	_ =	sdelay $0x3  }
0x1b1: {  	_ =	sfence.sel $0x180000  }
0x1b2: {  	[bflag:$0x0] =	sbarrier.arrive $0xFFFF  }
0x1b3: {  	_ =	strace $0x90000047  }
0x1b4: {  	[bflag:$0x2] =	sbarrier.arrive $0xFFFF  }
0x1b5: {  	s0 =	rddreg [dreg:$0x3]  }
0x1b6: {  	s0 =	sadd.s32 @!p0 $0x100000, s0  }
0x1b7: {  	[sflag:s0] =	ssyncadd.tile.s32 @!p0 $0x1;
	_ =	shalt  }
.Lfunc_end2:
_tile_overlayer_lowered:
.L_overlay_start_2:
0x1b8: {  	(tag) =	ssettag $0x2  }
0x1b9: {  	s0 =	rddreg [dreg:$0x0];
	s2 =	stileid.u32  }
0x1ba: {  	s1 =	rddreg [dreg:$0x1];
	p0 =	sne.s32 s2, $0x0  }
0x1bb: {  	s3 =	rddreg [dreg:$0x2];
	[bflag:$0x3] =	sbarrier.arrive $0xFFFF;
	s2 =	simm.s32 @!p0 $0x1C08  }
0x1bc: {  	[timem:s3], [sflag:s2] =	dma.local @!p0 [hbm:s0], s1  }
0x1bd: {  	s0 =	simm.s32 @!p0 $0x8  }
0x1be: {  	_ =	swait.ge @!p0 [sflag:s0], s1  }
0x1bf: {  	s1 =	ssub.s32 @!p0 $0x0, s1;
	[sflag:s0] =	ssyncset.done @!p0 $0x0  }
0x1c0: {  	[sflag:s0] =	ssyncadd.s32 @!p0 s1  }
0x1c1: {  	[bflag:$0x3] =	sbarrier.arrive $0xFFFF  }
0x1c2: {  	_ =	shalt  }

</sc_bundles>
